<compile_context>
chip_gen: v7x
topology: tpu7x:2x2x1
jax: 0.10.2.dev20260603
libtpu: 0.0.44.dev20260713+nightly
codegen_flags: <defaults>
</compile_context>

<pallas_src>
import functools
import numpy as np
import jax
import jax.numpy as jnp
from jax import lax
from jax.experimental import pallas as pl
from jax.experimental.pallas import tpu as pltpu
from jax.experimental.pallas import tpu_sc as plsc

N = 64
B = 64
H = 16
DIN = 128
DE = 4
EPG = 4032
NN = N * N
G = 8
NG = N // G
GH = NG // 2
RH = GH * N
KW = G * 64


def _build_perm():
    tri = np.zeros((N, N), dtype=np.int64)
    iu = np.triu_indices(N, k=1)
    tri[iu] = np.arange(len(iu[0]))
    i = np.arange(N)[:, None]
    j = np.arange(N)[None, :]
    perm2d = np.where(i < j, tri, np.where(i > j, 2016 + tri.T, 0))
    r = np.arange(NN)
    m = r % G
    t = r // G
    jj = t % N
    gg = t // N
    return perm2d[(G * gg + m), jj].astype(np.int32)


_PERM = _build_perm()
_PIDX = (_PERM[:, None].astype(np.int32) * DE + np.arange(DE, dtype=np.int32)[None, :]).reshape(-1)

_NW = 32
_GPW = B // _NW
_SRCW = EPG * DE
_OUTW = NN * DE
_L = 16


def _sc_permute(xe2d, pidx):
    mesh = plsc.VectorSubcoreMesh(core_axis_name="c", subcore_axis_name="s")

    @functools.partial(
        pl.kernel, mesh=mesh,
        out_type=jax.ShapeDtypeStruct((B, _OUTW), jnp.float32),
        compiler_params=pltpu.CompilerParams(use_tc_tiling_on_sc=False,
                                             needs_layout_passes=False),
        scratch_types=[
            pltpu.VMEM((_OUTW,), jnp.int32),
            pltpu.VMEM((_SRCW,), jnp.float32),
            pltpu.VMEM((_OUTW,), jnp.float32),
        ],
    )
    def gather_k(pidx_hbm, src_hbm, out_hbm, idx_sp, src_sp, out_sp):
        wid = lax.axis_index("s") * 2 + lax.axis_index("c")
        pltpu.sync_copy(pidx_hbm, idx_sp)
        for rep in range(_GPW):
            b = wid * _GPW + rep
            pltpu.sync_copy(src_hbm.at[b], src_sp)

            def step(t, carry):
                for u in range(8):
                    v = t * 8 + u
                    ivec = idx_sp[pl.ds(v * _L, _L)]
                    out_sp[pl.ds(v * _L, _L)] = plsc.load_gather(src_sp, [ivec])
                return carry

            lax.fori_loop(0, _OUTW // (8 * _L), step, 0)
            pltpu.sync_copy(out_sp, out_hbm.at[b])

    return gather_k(pidx, xe2d)


def _gelu(v):
    return 0.5 * v * (1.0 + jax.lax.erf(v * np.float32(0.7071067811865476)))


_PB = 8


def _pre_body(x_ref, ln1_g, ln1_b, wn, bn, we2p, xf_ref, gn2_ref):
    xb = x_ref[...].reshape(_PB * N, DIN)
    m = jnp.mean(xb, axis=1, keepdims=True)
    xc = xb - m
    v = jnp.mean(xc * xc, axis=1, keepdims=True)
    xn = xc * jax.lax.rsqrt(v + 1e-5) * ln1_g[0] + ln1_b[0]
    xf = _gelu(jnp.dot(xn, wn[...], preferred_element_type=jnp.float32) + bn[0])
    xf_ref[...] = xf.reshape(_PB, N, H)
    gn2 = jnp.dot(xf, we2p[...], preferred_element_type=jnp.float32)
    gn2_ref[...] = gn2.reshape(_PB, N, 64 * H)


_MB = 4


def _main_body(xf_ref, xe_ref, gnc_ref, we1k, be1k, be2r, root, cb,
               wf1, bf1, wf2, bf2, lno_g, lno_b, out_ref):
    xe = xe_ref[...].reshape(_MB * NG * N, G * DE)
    hidc2 = _gelu(jnp.dot(xe, we1k[...], preferred_element_type=jnp.float32) + be1k[0])
    rr = jax.lax.broadcasted_iota(jnp.int32, (_MB * NG * N, KW), 0)
    cc = jax.lax.broadcasted_iota(jnp.int32, (_MB * NG * N, KW), 1)
    diag = (G * ((rr % (NG * N)) // N) + cc // 64) == (rr % N)
    hidc2 = jnp.where(diag, 0.0, hidc2)

    for gi in range(_MB):
        xf = xf_ref[gi]
        total = jnp.zeros((N, H), jnp.float32)
        for gl in range(NG):
            total = total + jnp.dot(hidc2[(gi * NG + gl) * N:(gi * NG + gl + 1) * N, :],
                                    gnc_ref[gi, gl * KW:(gl + 1) * KW, :],
                                    preferred_element_type=jnp.float32)

        s_all = jnp.sum(xf, axis=0, keepdims=True)
        agg = (total + jnp.dot(s_all - xf, be2r[...],
                               preferred_element_type=jnp.float32)) * np.float32(1.0 / 63.0)
        out = agg + jnp.dot(xf, root[...], preferred_element_type=jnp.float32) + cb[0]
        xo = xf + _gelu(out)
        ff = _gelu(jnp.dot(xo, wf1[...], preferred_element_type=jnp.float32) + bf1[0])
        xo = xo + jnp.dot(ff, wf2[...], preferred_element_type=jnp.float32) + bf2[0]
        mo = jnp.mean(xo, axis=1, keepdims=True)
        xoc = xo - mo
        vo = jnp.mean(xoc * xoc, axis=1, keepdims=True)
        out_ref[gi] = xoc * jax.lax.rsqrt(vo + 1e-5) * lno_g[0] + lno_b[0]


def kernel(x, x_edge, ln1_g, ln1_b, Wn, bn, We1, be1, We2, be2, root, cb,
           Wf1, bf1, Wf2, bf2, lno_g, lno_b):
    We2p = We2.reshape(64, H, H).transpose(1, 0, 2).reshape(H, 64 * H)
    be2r = be2.reshape(H, H)
    We1k = jnp.kron(jnp.eye(G, dtype=We1.dtype), We1)
    be1k = jnp.tile(be1, G)

    pidx = jnp.asarray(_PIDX)
    xe_perm = _sc_permute(x_edge.reshape(B, EPG * DE), pidx).reshape(B, NG * N, G * DE)

    row = lambda a: a.reshape(1, -1)

    pre_w = [row(ln1_g), row(ln1_b), Wn, row(bn), We2p]
    fullp = lambda a: pl.BlockSpec(a.shape, lambda b: (0,) * a.ndim)
    xf_all, gn2_all = pl.pallas_call(
        _pre_body,
        grid=(B // _PB,),
        in_specs=[pl.BlockSpec((_PB, N, DIN), lambda b: (b, 0, 0))] + [fullp(w) for w in pre_w],
        out_specs=[pl.BlockSpec((_PB, N, H), lambda b: (b, 0, 0)),
                   pl.BlockSpec((_PB, N, 64 * H), lambda b: (b, 0, 0))],
        out_shape=[jax.ShapeDtypeStruct((B, N, H), jnp.float32),
                   jax.ShapeDtypeStruct((B, N, 64 * H), jnp.float32)],
    )(x, *pre_w)

    gnc_all = gn2_all.reshape(B, NG * KW, H)

    main_w = [We1k, row(be1k), be2r, root, row(cb), Wf1, row(bf1), Wf2, row(bf2),
              row(lno_g), row(lno_b)]
    fullm = lambda a: pl.BlockSpec(a.shape, lambda b: (0,) * a.ndim)
    out = pl.pallas_call(
        _main_body,
        grid=(B // _MB,),
        in_specs=[
            pl.BlockSpec((_MB, N, H), lambda b: (b, 0, 0)),
            pl.BlockSpec((_MB, NG * N, G * DE), lambda b: (b, 0, 0)),
            pl.BlockSpec((_MB, NG * KW, H), lambda b: (b, 0, 0)),
        ] + [fullm(w) for w in main_w],
        out_specs=pl.BlockSpec((_MB, N, H), lambda b: (b, 0, 0)),
        out_shape=jax.ShapeDtypeStruct((B, N, H), jnp.float32),
    )(xf_all, xe_perm, gnc_all, *main_w)
    return out

# --- scband reference (transcript-rebuilt; emitter-appended) ---
"""Pipeline reference for scband-fully-connect-gnn-24000277250113 (READ-ONLY COPY).

The authoritative reference and input builder live on the scoring server;
editing this copy changes nothing except your own understanding.
"""

import jax, jax.numpy as jnp
import numpy as np

N = 64
B = 64
H = 16
DIN = 128
DE = 4
EPG = 4032  # comb(64,2)*2


def _ln(x, g, b, eps=1e-5):
    m = jnp.mean(x, axis=-1, keepdims=True)
    v = jnp.var(x, axis=-1, keepdims=True)
    return (x - m) / jnp.sqrt(v + eps) * g + b


def _edge_index():
    iu = np.triu_indices(N, k=1)
    src = np.concatenate([iu[0], iu[1]]).astype(np.int64)
    dst = np.concatenate([iu[1], iu[0]]).astype(np.int64)
    off = (np.arange(B, dtype=np.int64) * N)[:, None]
    return (src[None, :] + off).reshape(-1), (dst[None, :] + off).reshape(-1)


def setup_inputs(seed: int = 0):
    key = jax.random.key(seed)
    ks = jax.random.split(key, 10)
    def rn(k, shape, s=0.05):
        return jax.random.normal(k, shape, jnp.float32) * s
    return {
        "x": jax.random.normal(ks[0], (B, N, DIN), jnp.float32),
        "x_edge": jax.random.normal(ks[1], (B, EPG, DE), jnp.float32),
        "ln1_g": jnp.ones((DIN,), jnp.float32),
        "ln1_b": jnp.zeros((DIN,), jnp.float32),
        "Wn": rn(ks[2], (DIN, H)),
        "bn": jnp.zeros((H,), jnp.float32),
        "We1": rn(ks[3], (DE, 64)),
        "be1": jnp.zeros((64,), jnp.float32),
        "We2": rn(ks[4], (64, H * H)),
        "be2": jnp.zeros((H * H,), jnp.float32),
        "root": rn(ks[5], (H, H)),
        "cb": jnp.zeros((H,), jnp.float32),
        "Wf1": rn(ks[6], (H, 2 * H)),
        "bf1": jnp.zeros((2 * H,), jnp.float32),
        "Wf2": rn(ks[7], (2 * H, H)),
        "bf2": jnp.zeros((H,), jnp.float32),
        "lno_g": jnp.ones((H,), jnp.float32),
        "lno_b": jnp.zeros((H,), jnp.float32),
    }


def reference(x, x_edge, ln1_g, ln1_b, Wn, bn, We1, be1, We2, be2, root, cb, Wf1, bf1, Wf2, bf2, lno_g, lno_b):
    src, dst = _edge_index()
    # nodeEncode: LayerNorm -> Linear -> GELU (dropout is identity in eval)
    h = _ln(x, ln1_g, ln1_b)
    h = jax.nn.gelu(h @ Wn + bn, approximate=False)
    xf = h.reshape(B * N, H)
    ea = x_edge.reshape(B * EPG, DE)
    # edgeEncode: Linear(DE,64) -> GELU -> Linear(64, H*H)
    w = jax.nn.gelu(ea @ We1 + be1, approximate=False) @ We2 + be2
    w = w.reshape(-1, H, H)
    # NNConv with aggr='mean': message = x_src @ W(e); scatter-mean by dst; + root + bias
    xj = xf[src]
    msg = jnp.einsum('ei,eio->eo', xj, w)
    s = jax.ops.segment_sum(msg, dst, num_segments=B * N)
    cnt = jax.ops.segment_sum(jnp.ones((msg.shape[0],), jnp.float32), dst, num_segments=B * N)
    agg = s / jnp.clip(cnt, 1.0)[:, None]
    out = agg + xf @ root + cb
    xm = jax.nn.gelu(out, approximate=False)
    xo = xf + xm
    xo = xo + (jax.nn.gelu(xo @ Wf1 + bf1, approximate=False) @ Wf2 + bf2)
    xo = _ln(xo, lno_g, lno_b)
    return xo.reshape(B, N, H)

if __name__ == "__main__":
    import jax
    _d = setup_inputs()
    print(jax.jit(kernel)(*tuple(_d.values())))

</pallas_src>

<mosaic_0001>
#map = affine_map<(d0, d1) -> (0)>
#map1 = affine_map<(d0, d1) -> (0, 0)>
module attributes {stable_mosaic.version = 14 : i64} {
  func.func @gather_k(%arg0: i32, %arg1: i32, %arg2: memref<16384xi32, #tpu.memory_space<hbm>>, %arg3: memref<64x16128xf32, #tpu.memory_space<hbm>>, %arg4: memref<64x16384xf32, #tpu.memory_space<hbm>>, %arg5: memref<16384xi32, #tpu.memory_space<vmem>>, %arg6: memref<16128xf32, #tpu.memory_space<vmem>>, %arg7: memref<16384xf32, #tpu.memory_space<vmem>>) attributes {dimension_semantics = [#tpu.dimension_semantics<core_parallel>, #tpu.dimension_semantics<subcore_parallel>], iteration_bounds = array<i64: 2, 16>, scalar_prefetch = 0 : i64, scratch_operands = 3 : i64, tpu.core_type = #tpu.core_type<sc_vector_subcore>, window_params = [{transform_indices = #map}, {transform_indices = #map1}, {transform_indices = #map1}]} {
    %mul3A = arith.constant 2 : i32
    %mul3A_0 = arith.muli %arg1, %mul3A : i32
    %add3A = arith.addi %mul3A_0, %arg0 : i32
    "tpu.region"() ({
      %run_scoped3A = tpu.sem_alloc : memref<!tpu.dma_semaphore, #tpu.memory_space<semaphore_mem>>
      tpu.enqueue_dma source(%arg2 : memref<16384xi32, #tpu.memory_space<hbm>>) target(%arg5 : memref<16384xi32, #tpu.memory_space<vmem>>) target_semaphore(%run_scoped3A : memref<!tpu.dma_semaphore, #tpu.memory_space<semaphore_mem>>)
      tpu.wait_dma2 semaphore(%run_scoped3A : memref<!tpu.dma_semaphore, #tpu.memory_space<semaphore_mem>>) src(%arg2 : memref<16384xi32, #tpu.memory_space<hbm>>) dst(%arg5 : memref<16384xi32, #tpu.memory_space<vmem>>)
      tpu.yield
    }) : () -> ()
    %mul3A_1 = arith.constant 2 : i32
    %mul3A_2 = arith.muli %add3A, %mul3A_1 : i32
    %add3A_3 = arith.constant 0 : i32
    %add3A_4 = arith.addi %mul3A_2, %add3A_3 : i32
    "tpu.region"() ({
      %run_scoped3A = tpu.sem_alloc : memref<!tpu.dma_semaphore, #tpu.memory_space<semaphore_mem>>
      %dma_start3A = arith.constant 0 : i32
      %dma_start3A_20 = tpu.memref_slice %arg3[%add3A_4, %dma_start3A] : memref<64x16128xf32, #tpu.memory_space<hbm>> -> memref<1x16128xf32, #tpu.memory_space<hbm>>
      %dma_start3A_21 = tpu.memref_squeeze %dma_start3A_20 : memref<1x16128xf32, #tpu.memory_space<hbm>> -> memref<16128xf32, #tpu.memory_space<hbm>>
      %dma_start3A_22 = arith.constant 0 : i32
      %dma_start3A_23 = tpu.memref_slice %arg3[%add3A_4, %dma_start3A_22] : memref<64x16128xf32, #tpu.memory_space<hbm>> -> memref<1x16128xf32, #tpu.memory_space<hbm>>
      %dma_start3A_24 = tpu.memref_squeeze %dma_start3A_23 : memref<1x16128xf32, #tpu.memory_space<hbm>> -> memref<16128xf32, #tpu.memory_space<hbm>>
      tpu.enqueue_dma source(%dma_start3A_24 : memref<16128xf32, #tpu.memory_space<hbm>>) target(%arg6 : memref<16128xf32, #tpu.memory_space<vmem>>) target_semaphore(%run_scoped3A : memref<!tpu.dma_semaphore, #tpu.memory_space<semaphore_mem>>)
      %dma_wait3A = arith.constant 0 : i32
      %dma_wait3A_25 = tpu.memref_slice %arg3[%add3A_4, %dma_wait3A] : memref<64x16128xf32, #tpu.memory_space<hbm>> -> memref<1x16128xf32, #tpu.memory_space<hbm>>
      %dma_wait3A_26 = tpu.memref_squeeze %dma_wait3A_25 : memref<1x16128xf32, #tpu.memory_space<hbm>> -> memref<16128xf32, #tpu.memory_space<hbm>>
      %dma_wait3A_27 = arith.constant 0 : i32
      %dma_wait3A_28 = tpu.memref_slice %arg3[%add3A_4, %dma_wait3A_27] : memref<64x16128xf32, #tpu.memory_space<hbm>> -> memref<1x16128xf32, #tpu.memory_space<hbm>>
      %dma_wait3A_29 = tpu.memref_squeeze %dma_wait3A_28 : memref<1x16128xf32, #tpu.memory_space<hbm>> -> memref<16128xf32, #tpu.memory_space<hbm>>
      tpu.wait_dma2 semaphore(%run_scoped3A : memref<!tpu.dma_semaphore, #tpu.memory_space<semaphore_mem>>) src(%dma_wait3A_29 : memref<16128xf32, #tpu.memory_space<hbm>>) dst(%arg6 : memref<16128xf32, #tpu.memory_space<vmem>>)
      tpu.yield
    }) : () -> ()
    %scan3A = arith.constant 0 : i32
    %scan3A_5 = arith.constant 0 : i32
    %scan3A_6 = arith.constant 128 : i32
    %scan3A_7 = arith.addi %scan3A_5, %scan3A_6 : i32
    %scan3A_8 = arith.constant 1 : i32
    scf.for %scan3A_20 = %scan3A_5 to %scan3A_7 step %scan3A_8  : i32 {
      %mul3A_21 = arith.constant 8 : i32
      %mul3A_22 = arith.muli %scan3A_20, %mul3A_21 : i32
      %add3A_23 = arith.constant 0 : i32
      %add3A_24 = arith.addi %mul3A_22, %add3A_23 : i32
      %mul3A_25 = arith.constant 16 : i32
      %mul3A_26 = arith.muli %add3A_24, %mul3A_25 : i32
      %get3A = arith.index_cast %mul3A_26 : i32 to index
      %get3A_27 = tpu.vector_load %arg5[%get3A] {strides = array<i32>} : memref<16384xi32, #tpu.memory_space<vmem>>, vector<16xi32>,
      %gather3A = tpu.vector_load_idx %arg6[%get3A_27] : memref<16128xf32, #tpu.memory_space<vmem>>[vector<16xi32>], vector<16xf32>,
      %mul3A_28 = arith.constant 16 : i32
      %mul3A_29 = arith.muli %add3A_24, %mul3A_28 : i32
      %swap3A = arith.index_cast %mul3A_29 : i32 to index
      %swap3A_30 = tpu.vector_load %arg7[%swap3A] {strides = array<i32>} : memref<16384xf32, #tpu.memory_space<vmem>>, vector<16xf32>,
      tpu.vector_store %arg7[%swap3A], %gather3A {strides = array<i32>} : memref<16384xf32, #tpu.memory_space<vmem>>, vector<16xf32>,
      %mul3A_31 = arith.constant 8 : i32
      %mul3A_32 = arith.muli %scan3A_20, %mul3A_31 : i32
      %add3A_33 = arith.constant 1 : i32
      %add3A_34 = arith.addi %mul3A_32, %add3A_33 : i32
      %mul3A_35 = arith.constant 16 : i32
      %mul3A_36 = arith.muli %add3A_34, %mul3A_35 : i32
      %get3A_37 = arith.index_cast %mul3A_36 : i32 to index
      %get3A_38 = tpu.vector_load %arg5[%get3A_37] {strides = array<i32>} : memref<16384xi32, #tpu.memory_space<vmem>>, vector<16xi32>,
      %gather3A_39 = tpu.vector_load_idx %arg6[%get3A_38] : memref<16128xf32, #tpu.memory_space<vmem>>[vector<16xi32>], vector<16xf32>,
      %mul3A_40 = arith.constant 16 : i32
      %mul3A_41 = arith.muli %add3A_34, %mul3A_40 : i32
      %swap3A_42 = arith.index_cast %mul3A_41 : i32 to index
      %swap3A_43 = tpu.vector_load %arg7[%swap3A_42] {strides = array<i32>} : memref<16384xf32, #tpu.memory_space<vmem>>, vector<16xf32>,
      tpu.vector_store %arg7[%swap3A_42], %gather3A_39 {strides = array<i32>} : memref<16384xf32, #tpu.memory_space<vmem>>, vector<16xf32>,
      %mul3A_44 = arith.constant 8 : i32
      %mul3A_45 = arith.muli %scan3A_20, %mul3A_44 : i32
      %add3A_46 = arith.constant 2 : i32
      %add3A_47 = arith.addi %mul3A_45, %add3A_46 : i32
      %mul3A_48 = arith.constant 16 : i32
      %mul3A_49 = arith.muli %add3A_47, %mul3A_48 : i32
      %get3A_50 = arith.index_cast %mul3A_49 : i32 to index
      %get3A_51 = tpu.vector_load %arg5[%get3A_50] {strides = array<i32>} : memref<16384xi32, #tpu.memory_space<vmem>>, vector<16xi32>,
      %gather3A_52 = tpu.vector_load_idx %arg6[%get3A_51] : memref<16128xf32, #tpu.memory_space<vmem>>[vector<16xi32>], vector<16xf32>,
      %mul3A_53 = arith.constant 16 : i32
      %mul3A_54 = arith.muli %add3A_47, %mul3A_53 : i32
      %swap3A_55 = arith.index_cast %mul3A_54 : i32 to index
      %swap3A_56 = tpu.vector_load %arg7[%swap3A_55] {strides = array<i32>} : memref<16384xf32, #tpu.memory_space<vmem>>, vector<16xf32>,
      tpu.vector_store %arg7[%swap3A_55], %gather3A_52 {strides = array<i32>} : memref<16384xf32, #tpu.memory_space<vmem>>, vector<16xf32>,
      %mul3A_57 = arith.constant 8 : i32
      %mul3A_58 = arith.muli %scan3A_20, %mul3A_57 : i32
      %add3A_59 = arith.constant 3 : i32
      %add3A_60 = arith.addi %mul3A_58, %add3A_59 : i32
      %mul3A_61 = arith.constant 16 : i32
      %mul3A_62 = arith.muli %add3A_60, %mul3A_61 : i32
      %get3A_63 = arith.index_cast %mul3A_62 : i32 to index
      %get3A_64 = tpu.vector_load %arg5[%get3A_63] {strides = array<i32>} : memref<16384xi32, #tpu.memory_space<vmem>>, vector<16xi32>,
      %gather3A_65 = tpu.vector_load_idx %arg6[%get3A_64] : memref<16128xf32, #tpu.memory_space<vmem>>[vector<16xi32>], vector<16xf32>,
      %mul3A_66 = arith.constant 16 : i32
      %mul3A_67 = arith.muli %add3A_60, %mul3A_66 : i32
      %swap3A_68 = arith.index_cast %mul3A_67 : i32 to index
      %swap3A_69 = tpu.vector_load %arg7[%swap3A_68] {strides = array<i32>} : memref<16384xf32, #tpu.memory_space<vmem>>, vector<16xf32>,
      tpu.vector_store %arg7[%swap3A_68], %gather3A_65 {strides = array<i32>} : memref<16384xf32, #tpu.memory_space<vmem>>, vector<16xf32>,
      %mul3A_70 = arith.constant 8 : i32
      %mul3A_71 = arith.muli %scan3A_20, %mul3A_70 : i32
      %add3A_72 = arith.constant 4 : i32
      %add3A_73 = arith.addi %mul3A_71, %add3A_72 : i32
      %mul3A_74 = arith.constant 16 : i32
      %mul3A_75 = arith.muli %add3A_73, %mul3A_74 : i32
      %get3A_76 = arith.index_cast %mul3A_75 : i32 to index
      %get3A_77 = tpu.vector_load %arg5[%get3A_76] {strides = array<i32>} : memref<16384xi32, #tpu.memory_space<vmem>>, vector<16xi32>,
      %gather3A_78 = tpu.vector_load_idx %arg6[%get3A_77] : memref<16128xf32, #tpu.memory_space<vmem>>[vector<16xi32>], vector<16xf32>,
      %mul3A_79 = arith.constant 16 : i32
      %mul3A_80 = arith.muli %add3A_73, %mul3A_79 : i32
      %swap3A_81 = arith.index_cast %mul3A_80 : i32 to index
      %swap3A_82 = tpu.vector_load %arg7[%swap3A_81] {strides = array<i32>} : memref<16384xf32, #tpu.memory_space<vmem>>, vector<16xf32>,
      tpu.vector_store %arg7[%swap3A_81], %gather3A_78 {strides = array<i32>} : memref<16384xf32, #tpu.memory_space<vmem>>, vector<16xf32>,
      %mul3A_83 = arith.constant 8 : i32
      %mul3A_84 = arith.muli %scan3A_20, %mul3A_83 : i32
      %add3A_85 = arith.constant 5 : i32
      %add3A_86 = arith.addi %mul3A_84, %add3A_85 : i32
      %mul3A_87 = arith.constant 16 : i32
      %mul3A_88 = arith.muli %add3A_86, %mul3A_87 : i32
      %get3A_89 = arith.index_cast %mul3A_88 : i32 to index
      %get3A_90 = tpu.vector_load %arg5[%get3A_89] {strides = array<i32>} : memref<16384xi32, #tpu.memory_space<vmem>>, vector<16xi32>,
      %gather3A_91 = tpu.vector_load_idx %arg6[%get3A_90] : memref<16128xf32, #tpu.memory_space<vmem>>[vector<16xi32>], vector<16xf32>,
      %mul3A_92 = arith.constant 16 : i32
      %mul3A_93 = arith.muli %add3A_86, %mul3A_92 : i32
      %swap3A_94 = arith.index_cast %mul3A_93 : i32 to index
      %swap3A_95 = tpu.vector_load %arg7[%swap3A_94] {strides = array<i32>} : memref<16384xf32, #tpu.memory_space<vmem>>, vector<16xf32>,
      tpu.vector_store %arg7[%swap3A_94], %gather3A_91 {strides = array<i32>} : memref<16384xf32, #tpu.memory_space<vmem>>, vector<16xf32>,
      %mul3A_96 = arith.constant 8 : i32
      %mul3A_97 = arith.muli %scan3A_20, %mul3A_96 : i32
      %add3A_98 = arith.constant 6 : i32
      %add3A_99 = arith.addi %mul3A_97, %add3A_98 : i32
      %mul3A_100 = arith.constant 16 : i32
      %mul3A_101 = arith.muli %add3A_99, %mul3A_100 : i32
      %get3A_102 = arith.index_cast %mul3A_101 : i32 to index
      %get3A_103 = tpu.vector_load %arg5[%get3A_102] {strides = array<i32>} : memref<16384xi32, #tpu.memory_space<vmem>>, vector<16xi32>,
      %gather3A_104 = tpu.vector_load_idx %arg6[%get3A_103] : memref<16128xf32, #tpu.memory_space<vmem>>[vector<16xi32>], vector<16xf32>,
      %mul3A_105 = arith.constant 16 : i32
      %mul3A_106 = arith.muli %add3A_99, %mul3A_105 : i32
      %swap3A_107 = arith.index_cast %mul3A_106 : i32 to index
      %swap3A_108 = tpu.vector_load %arg7[%swap3A_107] {strides = array<i32>} : memref<16384xf32, #tpu.memory_space<vmem>>, vector<16xf32>,
      tpu.vector_store %arg7[%swap3A_107], %gather3A_104 {strides = array<i32>} : memref<16384xf32, #tpu.memory_space<vmem>>, vector<16xf32>,
      %mul3A_109 = arith.constant 8 : i32
      %mul3A_110 = arith.muli %scan3A_20, %mul3A_109 : i32
      %add3A_111 = arith.constant 7 : i32
      %add3A_112 = arith.addi %mul3A_110, %add3A_111 : i32
      %mul3A_113 = arith.constant 16 : i32
      %mul3A_114 = arith.muli %add3A_112, %mul3A_113 : i32
      %get3A_115 = arith.index_cast %mul3A_114 : i32 to index
      %get3A_116 = tpu.vector_load %arg5[%get3A_115] {strides = array<i32>} : memref<16384xi32, #tpu.memory_space<vmem>>, vector<16xi32>,
      %gather3A_117 = tpu.vector_load_idx %arg6[%get3A_116] : memref<16128xf32, #tpu.memory_space<vmem>>[vector<16xi32>], vector<16xf32>,
      %mul3A_118 = arith.constant 16 : i32
      %mul3A_119 = arith.muli %add3A_112, %mul3A_118 : i32
      %swap3A_120 = arith.index_cast %mul3A_119 : i32 to index
      %swap3A_121 = tpu.vector_load %arg7[%swap3A_120] {strides = array<i32>} : memref<16384xf32, #tpu.memory_space<vmem>>, vector<16xf32>,
      tpu.vector_store %arg7[%swap3A_120], %gather3A_117 {strides = array<i32>} : memref<16384xf32, #tpu.memory_space<vmem>>, vector<16xf32>,
    }
    %scan3A_9 = arith.constant 128 : i32
    "tpu.region"() ({
      %run_scoped3A = tpu.sem_alloc : memref<!tpu.dma_semaphore, #tpu.memory_space<semaphore_mem>>
      %dma_start3A = arith.constant 0 : i32
      %dma_start3A_20 = tpu.memref_slice %arg4[%add3A_4, %dma_start3A] : memref<64x16384xf32, #tpu.memory_space<hbm>> -> memref<1x16384xf32, #tpu.memory_space<hbm>>
      %dma_start3A_21 = tpu.memref_squeeze %dma_start3A_20 : memref<1x16384xf32, #tpu.memory_space<hbm>> -> memref<16384xf32, #tpu.memory_space<hbm>>
      %dma_start3A_22 = arith.constant 0 : i32
      %dma_start3A_23 = tpu.memref_slice %arg4[%add3A_4, %dma_start3A_22] : memref<64x16384xf32, #tpu.memory_space<hbm>> -> memref<1x16384xf32, #tpu.memory_space<hbm>>
      %dma_start3A_24 = tpu.memref_squeeze %dma_start3A_23 : memref<1x16384xf32, #tpu.memory_space<hbm>> -> memref<16384xf32, #tpu.memory_space<hbm>>
      tpu.enqueue_dma source(%arg7 : memref<16384xf32, #tpu.memory_space<vmem>>) target(%dma_start3A_24 : memref<16384xf32, #tpu.memory_space<hbm>>) target_semaphore(%run_scoped3A : memref<!tpu.dma_semaphore, #tpu.memory_space<semaphore_mem>>)
      %dma_wait3A = arith.constant 0 : i32
      %dma_wait3A_25 = tpu.memref_slice %arg4[%add3A_4, %dma_wait3A] : memref<64x16384xf32, #tpu.memory_space<hbm>> -> memref<1x16384xf32, #tpu.memory_space<hbm>>
      %dma_wait3A_26 = tpu.memref_squeeze %dma_wait3A_25 : memref<1x16384xf32, #tpu.memory_space<hbm>> -> memref<16384xf32, #tpu.memory_space<hbm>>
      %dma_wait3A_27 = arith.constant 0 : i32
      %dma_wait3A_28 = tpu.memref_slice %arg4[%add3A_4, %dma_wait3A_27] : memref<64x16384xf32, #tpu.memory_space<hbm>> -> memref<1x16384xf32, #tpu.memory_space<hbm>>
      %dma_wait3A_29 = tpu.memref_squeeze %dma_wait3A_28 : memref<1x16384xf32, #tpu.memory_space<hbm>> -> memref<16384xf32, #tpu.memory_space<hbm>>
      tpu.wait_dma2 semaphore(%run_scoped3A : memref<!tpu.dma_semaphore, #tpu.memory_space<semaphore_mem>>) src(%arg7 : memref<16384xf32, #tpu.memory_space<vmem>>) dst(%dma_wait3A_29 : memref<16384xf32, #tpu.memory_space<hbm>>)
      tpu.yield
    }) : () -> ()
    %mul3A_10 = arith.constant 2 : i32
    %mul3A_11 = arith.muli %add3A, %mul3A_10 : i32
    %add3A_12 = arith.constant 1 : i32
    %add3A_13 = arith.addi %mul3A_11, %add3A_12 : i32
    "tpu.region"() ({
      %run_scoped3A = tpu.sem_alloc : memref<!tpu.dma_semaphore, #tpu.memory_space<semaphore_mem>>
      %dma_start3A = arith.constant 0 : i32
      %dma_start3A_20 = tpu.memref_slice %arg3[%add3A_13, %dma_start3A] : memref<64x16128xf32, #tpu.memory_space<hbm>> -> memref<1x16128xf32, #tpu.memory_space<hbm>>
      %dma_start3A_21 = tpu.memref_squeeze %dma_start3A_20 : memref<1x16128xf32, #tpu.memory_space<hbm>> -> memref<16128xf32, #tpu.memory_space<hbm>>
      %dma_start3A_22 = arith.constant 0 : i32
      %dma_start3A_23 = tpu.memref_slice %arg3[%add3A_13, %dma_start3A_22] : memref<64x16128xf32, #tpu.memory_space<hbm>> -> memref<1x16128xf32, #tpu.memory_space<hbm>>
      %dma_start3A_24 = tpu.memref_squeeze %dma_start3A_23 : memref<1x16128xf32, #tpu.memory_space<hbm>> -> memref<16128xf32, #tpu.memory_space<hbm>>
      tpu.enqueue_dma source(%dma_start3A_24 : memref<16128xf32, #tpu.memory_space<hbm>>) target(%arg6 : memref<16128xf32, #tpu.memory_space<vmem>>) target_semaphore(%run_scoped3A : memref<!tpu.dma_semaphore, #tpu.memory_space<semaphore_mem>>)
      %dma_wait3A = arith.constant 0 : i32
      %dma_wait3A_25 = tpu.memref_slice %arg3[%add3A_13, %dma_wait3A] : memref<64x16128xf32, #tpu.memory_space<hbm>> -> memref<1x16128xf32, #tpu.memory_space<hbm>>
      %dma_wait3A_26 = tpu.memref_squeeze %dma_wait3A_25 : memref<1x16128xf32, #tpu.memory_space<hbm>> -> memref<16128xf32, #tpu.memory_space<hbm>>
      %dma_wait3A_27 = arith.constant 0 : i32
      %dma_wait3A_28 = tpu.memref_slice %arg3[%add3A_13, %dma_wait3A_27] : memref<64x16128xf32, #tpu.memory_space<hbm>> -> memref<1x16128xf32, #tpu.memory_space<hbm>>
      %dma_wait3A_29 = tpu.memref_squeeze %dma_wait3A_28 : memref<1x16128xf32, #tpu.memory_space<hbm>> -> memref<16128xf32, #tpu.memory_space<hbm>>
      tpu.wait_dma2 semaphore(%run_scoped3A : memref<!tpu.dma_semaphore, #tpu.memory_space<semaphore_mem>>) src(%dma_wait3A_29 : memref<16128xf32, #tpu.memory_space<hbm>>) dst(%arg6 : memref<16128xf32, #tpu.memory_space<vmem>>)
      tpu.yield
    }) : () -> ()
    %scan3A_14 = arith.constant 0 : i32
    %scan3A_15 = arith.constant 0 : i32
    %scan3A_16 = arith.constant 128 : i32
    %scan3A_17 = arith.addi %scan3A_15, %scan3A_16 : i32
    %scan3A_18 = arith.constant 1 : i32
    scf.for %scan3A_20 = %scan3A_15 to %scan3A_17 step %scan3A_18  : i32 {
      %mul3A_21 = arith.constant 8 : i32
      %mul3A_22 = arith.muli %scan3A_20, %mul3A_21 : i32
      %add3A_23 = arith.constant 0 : i32
      %add3A_24 = arith.addi %mul3A_22, %add3A_23 : i32
      %mul3A_25 = arith.constant 16 : i32
      %mul3A_26 = arith.muli %add3A_24, %mul3A_25 : i32
      %get3A = arith.index_cast %mul3A_26 : i32 to index
      %get3A_27 = tpu.vector_load %arg5[%get3A] {strides = array<i32>} : memref<16384xi32, #tpu.memory_space<vmem>>, vector<16xi32>,
      %gather3A = tpu.vector_load_idx %arg6[%get3A_27] : memref<16128xf32, #tpu.memory_space<vmem>>[vector<16xi32>], vector<16xf32>,
      %mul3A_28 = arith.constant 16 : i32
      %mul3A_29 = arith.muli %add3A_24, %mul3A_28 : i32
      %swap3A = arith.index_cast %mul3A_29 : i32 to index
      %swap3A_30 = tpu.vector_load %arg7[%swap3A] {strides = array<i32>} : memref<16384xf32, #tpu.memory_space<vmem>>, vector<16xf32>,
      tpu.vector_store %arg7[%swap3A], %gather3A {strides = array<i32>} : memref<16384xf32, #tpu.memory_space<vmem>>, vector<16xf32>,
      %mul3A_31 = arith.constant 8 : i32
      %mul3A_32 = arith.muli %scan3A_20, %mul3A_31 : i32
      %add3A_33 = arith.constant 1 : i32
      %add3A_34 = arith.addi %mul3A_32, %add3A_33 : i32
      %mul3A_35 = arith.constant 16 : i32
      %mul3A_36 = arith.muli %add3A_34, %mul3A_35 : i32
      %get3A_37 = arith.index_cast %mul3A_36 : i32 to index
      %get3A_38 = tpu.vector_load %arg5[%get3A_37] {strides = array<i32>} : memref<16384xi32, #tpu.memory_space<vmem>>, vector<16xi32>,
      %gather3A_39 = tpu.vector_load_idx %arg6[%get3A_38] : memref<16128xf32, #tpu.memory_space<vmem>>[vector<16xi32>], vector<16xf32>,
      %mul3A_40 = arith.constant 16 : i32
      %mul3A_41 = arith.muli %add3A_34, %mul3A_40 : i32
      %swap3A_42 = arith.index_cast %mul3A_41 : i32 to index
      %swap3A_43 = tpu.vector_load %arg7[%swap3A_42] {strides = array<i32>} : memref<16384xf32, #tpu.memory_space<vmem>>, vector<16xf32>,
      tpu.vector_store %arg7[%swap3A_42], %gather3A_39 {strides = array<i32>} : memref<16384xf32, #tpu.memory_space<vmem>>, vector<16xf32>,
      %mul3A_44 = arith.constant 8 : i32
      %mul3A_45 = arith.muli %scan3A_20, %mul3A_44 : i32
      %add3A_46 = arith.constant 2 : i32
      %add3A_47 = arith.addi %mul3A_45, %add3A_46 : i32
      %mul3A_48 = arith.constant 16 : i32
      %mul3A_49 = arith.muli %add3A_47, %mul3A_48 : i32
      %get3A_50 = arith.index_cast %mul3A_49 : i32 to index
      %get3A_51 = tpu.vector_load %arg5[%get3A_50] {strides = array<i32>} : memref<16384xi32, #tpu.memory_space<vmem>>, vector<16xi32>,
      %gather3A_52 = tpu.vector_load_idx %arg6[%get3A_51] : memref<16128xf32, #tpu.memory_space<vmem>>[vector<16xi32>], vector<16xf32>,
      %mul3A_53 = arith.constant 16 : i32
      %mul3A_54 = arith.muli %add3A_47, %mul3A_53 : i32
      %swap3A_55 = arith.index_cast %mul3A_54 : i32 to index
      %swap3A_56 = tpu.vector_load %arg7[%swap3A_55] {strides = array<i32>} : memref<16384xf32, #tpu.memory_space<vmem>>, vector<16xf32>,
      tpu.vector_store %arg7[%swap3A_55], %gather3A_52 {strides = array<i32>} : memref<16384xf32, #tpu.memory_space<vmem>>, vector<16xf32>,
      %mul3A_57 = arith.constant 8 : i32
      %mul3A_58 = arith.muli %scan3A_20, %mul3A_57 : i32
      %add3A_59 = arith.constant 3 : i32
      %add3A_60 = arith.addi %mul3A_58, %add3A_59 : i32
      %mul3A_61 = arith.constant 16 : i32
      %mul3A_62 = arith.muli %add3A_60, %mul3A_61 : i32
      %get3A_63 = arith.index_cast %mul3A_62 : i32 to index
      %get3A_64 = tpu.vector_load %arg5[%get3A_63] {strides = array<i32>} : memref<16384xi32, #tpu.memory_space<vmem>>, vector<16xi32>,
      %gather3A_65 = tpu.vector_load_idx %arg6[%get3A_64] : memref<16128xf32, #tpu.memory_space<vmem>>[vector<16xi32>], vector<16xf32>,
      %mul3A_66 = arith.constant 16 : i32
      %mul3A_67 = arith.muli %add3A_60, %mul3A_66 : i32
      %swap3A_68 = arith.index_cast %mul3A_67 : i32 to index
      %swap3A_69 = tpu.vector_load %arg7[%swap3A_68] {strides = array<i32>} : memref<16384xf32, #tpu.memory_space<vmem>>, vector<16xf32>,
      tpu.vector_store %arg7[%swap3A_68], %gather3A_65 {strides = array<i32>} : memref<16384xf32, #tpu.memory_space<vmem>>, vector<16xf32>,
      %mul3A_70 = arith.constant 8 : i32
      %mul3A_71 = arith.muli %scan3A_20, %mul3A_70 : i32
      %add3A_72 = arith.constant 4 : i32
      %add3A_73 = arith.addi %mul3A_71, %add3A_72 : i32
      %mul3A_74 = arith.constant 16 : i32
      %mul3A_75 = arith.muli %add3A_73, %mul3A_74 : i32
      %get3A_76 = arith.index_cast %mul3A_75 : i32 to index
      %get3A_77 = tpu.vector_load %arg5[%get3A_76] {strides = array<i32>} : memref<16384xi32, #tpu.memory_space<vmem>>, vector<16xi32>,
      %gather3A_78 = tpu.vector_load_idx %arg6[%get3A_77] : memref<16128xf32, #tpu.memory_space<vmem>>[vector<16xi32>], vector<16xf32>,
      %mul3A_79 = arith.constant 16 : i32
      %mul3A_80 = arith.muli %add3A_73, %mul3A_79 : i32
      %swap3A_81 = arith.index_cast %mul3A_80 : i32 to index
      %swap3A_82 = tpu.vector_load %arg7[%swap3A_81] {strides = array<i32>} : memref<16384xf32, #tpu.memory_space<vmem>>, vector<16xf32>,
      tpu.vector_store %arg7[%swap3A_81], %gather3A_78 {strides = array<i32>} : memref<16384xf32, #tpu.memory_space<vmem>>, vector<16xf32>,
      %mul3A_83 = arith.constant 8 : i32
      %mul3A_84 = arith.muli %scan3A_20, %mul3A_83 : i32
      %add3A_85 = arith.constant 5 : i32
      %add3A_86 = arith.addi %mul3A_84, %add3A_85 : i32
      %mul3A_87 = arith.constant 16 : i32
      %mul3A_88 = arith.muli %add3A_86, %mul3A_87 : i32
      %get3A_89 = arith.index_cast %mul3A_88 : i32 to index
      %get3A_90 = tpu.vector_load %arg5[%get3A_89] {strides = array<i32>} : memref<16384xi32, #tpu.memory_space<vmem>>, vector<16xi32>,
      %gather3A_91 = tpu.vector_load_idx %arg6[%get3A_90] : memref<16128xf32, #tpu.memory_space<vmem>>[vector<16xi32>], vector<16xf32>,
      %mul3A_92 = arith.constant 16 : i32
      %mul3A_93 = arith.muli %add3A_86, %mul3A_92 : i32
      %swap3A_94 = arith.index_cast %mul3A_93 : i32 to index
      %swap3A_95 = tpu.vector_load %arg7[%swap3A_94] {strides = array<i32>} : memref<16384xf32, #tpu.memory_space<vmem>>, vector<16xf32>,
      tpu.vector_store %arg7[%swap3A_94], %gather3A_91 {strides = array<i32>} : memref<16384xf32, #tpu.memory_space<vmem>>, vector<16xf32>,
      %mul3A_96 = arith.constant 8 : i32
      %mul3A_97 = arith.muli %scan3A_20, %mul3A_96 : i32
      %add3A_98 = arith.constant 6 : i32
      %add3A_99 = arith.addi %mul3A_97, %add3A_98 : i32
      %mul3A_100 = arith.constant 16 : i32
      %mul3A_101 = arith.muli %add3A_99, %mul3A_100 : i32
      %get3A_102 = arith.index_cast %mul3A_101 : i32 to index
      %get3A_103 = tpu.vector_load %arg5[%get3A_102] {strides = array<i32>} : memref<16384xi32, #tpu.memory_space<vmem>>, vector<16xi32>,
      %gather3A_104 = tpu.vector_load_idx %arg6[%get3A_103] : memref<16128xf32, #tpu.memory_space<vmem>>[vector<16xi32>], vector<16xf32>,
      %mul3A_105 = arith.constant 16 : i32
      %mul3A_106 = arith.muli %add3A_99, %mul3A_105 : i32
      %swap3A_107 = arith.index_cast %mul3A_106 : i32 to index
      %swap3A_108 = tpu.vector_load %arg7[%swap3A_107] {strides = array<i32>} : memref<16384xf32, #tpu.memory_space<vmem>>, vector<16xf32>,
      tpu.vector_store %arg7[%swap3A_107], %gather3A_104 {strides = array<i32>} : memref<16384xf32, #tpu.memory_space<vmem>>, vector<16xf32>,
      %mul3A_109 = arith.constant 8 : i32
      %mul3A_110 = arith.muli %scan3A_20, %mul3A_109 : i32
      %add3A_111 = arith.constant 7 : i32
      %add3A_112 = arith.addi %mul3A_110, %add3A_111 : i32
      %mul3A_113 = arith.constant 16 : i32
      %mul3A_114 = arith.muli %add3A_112, %mul3A_113 : i32
      %get3A_115 = arith.index_cast %mul3A_114 : i32 to index
      %get3A_116 = tpu.vector_load %arg5[%get3A_115] {strides = array<i32>} : memref<16384xi32, #tpu.memory_space<vmem>>, vector<16xi32>,
      %gather3A_117 = tpu.vector_load_idx %arg6[%get3A_116] : memref<16128xf32, #tpu.memory_space<vmem>>[vector<16xi32>], vector<16xf32>,
      %mul3A_118 = arith.constant 16 : i32
      %mul3A_119 = arith.muli %add3A_112, %mul3A_118 : i32
      %swap3A_120 = arith.index_cast %mul3A_119 : i32 to index
      %swap3A_121 = tpu.vector_load %arg7[%swap3A_120] {strides = array<i32>} : memref<16384xf32, #tpu.memory_space<vmem>>, vector<16xf32>,
      tpu.vector_store %arg7[%swap3A_120], %gather3A_117 {strides = array<i32>} : memref<16384xf32, #tpu.memory_space<vmem>>, vector<16xf32>,
    }
    %scan3A_19 = arith.constant 128 : i32
    "tpu.region"() ({
      %run_scoped3A = tpu.sem_alloc : memref<!tpu.dma_semaphore, #tpu.memory_space<semaphore_mem>>
      %dma_start3A = arith.constant 0 : i32
      %dma_start3A_20 = tpu.memref_slice %arg4[%add3A_13, %dma_start3A] : memref<64x16384xf32, #tpu.memory_space<hbm>> -> memref<1x16384xf32, #tpu.memory_space<hbm>>
      %dma_start3A_21 = tpu.memref_squeeze %dma_start3A_20 : memref<1x16384xf32, #tpu.memory_space<hbm>> -> memref<16384xf32, #tpu.memory_space<hbm>>
      %dma_start3A_22 = arith.constant 0 : i32
      %dma_start3A_23 = tpu.memref_slice %arg4[%add3A_13, %dma_start3A_22] : memref<64x16384xf32, #tpu.memory_space<hbm>> -> memref<1x16384xf32, #tpu.memory_space<hbm>>
      %dma_start3A_24 = tpu.memref_squeeze %dma_start3A_23 : memref<1x16384xf32, #tpu.memory_space<hbm>> -> memref<16384xf32, #tpu.memory_space<hbm>>
      tpu.enqueue_dma source(%arg7 : memref<16384xf32, #tpu.memory_space<vmem>>) target(%dma_start3A_24 : memref<16384xf32, #tpu.memory_space<hbm>>) target_semaphore(%run_scoped3A : memref<!tpu.dma_semaphore, #tpu.memory_space<semaphore_mem>>)
      %dma_wait3A = arith.constant 0 : i32
      %dma_wait3A_25 = tpu.memref_slice %arg4[%add3A_13, %dma_wait3A] : memref<64x16384xf32, #tpu.memory_space<hbm>> -> memref<1x16384xf32, #tpu.memory_space<hbm>>
      %dma_wait3A_26 = tpu.memref_squeeze %dma_wait3A_25 : memref<1x16384xf32, #tpu.memory_space<hbm>> -> memref<16384xf32, #tpu.memory_space<hbm>>
      %dma_wait3A_27 = arith.constant 0 : i32
      %dma_wait3A_28 = tpu.memref_slice %arg4[%add3A_13, %dma_wait3A_27] : memref<64x16384xf32, #tpu.memory_space<hbm>> -> memref<1x16384xf32, #tpu.memory_space<hbm>>
      %dma_wait3A_29 = tpu.memref_squeeze %dma_wait3A_28 : memref<1x16384xf32, #tpu.memory_space<hbm>> -> memref<16384xf32, #tpu.memory_space<hbm>>
      tpu.wait_dma2 semaphore(%run_scoped3A : memref<!tpu.dma_semaphore, #tpu.memory_space<semaphore_mem>>) src(%arg7 : memref<16384xf32, #tpu.memory_space<vmem>>) dst(%dma_wait3A_29 : memref<16384xf32, #tpu.memory_space<hbm>>)
      tpu.yield
    }) : () -> ()
    return
  }
}

module attributes {stable_mosaic.version = 14 : i64} {
  func.func @_pre_body(%arg0: i32, %arg1: memref<8x64x128xf32, #tpu.memory_space<vmem>>, %arg2: memref<1x128xf32, #tpu.memory_space<vmem>>, %arg3: memref<1x128xf32, #tpu.memory_space<vmem>>, %arg4: memref<128x16xf32, #tpu.memory_space<vmem>>, %arg5: memref<1x16xf32, #tpu.memory_space<vmem>>, %arg6: memref<16x1024xf32, #tpu.memory_space<vmem>>, %arg7: memref<8x64x16xf32, #tpu.memory_space<vmem>>, %arg8: memref<8x64x1024xf32, #tpu.memory_space<vmem>>) attributes {dimension_semantics = [#tpu.dimension_semantics<arbitrary>], iteration_bounds = array<i64: 8>, scalar_prefetch = 0 : i64, scratch_operands = 0 : i64, tpu.core_type = #tpu.core_type<tc>, window_params = [{transform_indices = @transform_0, window_bounds = array<i64: 8, 64, 128>}, {pipeline_mode = #tpu.pipeline_mode<synchronous>, transform_indices = @transform_1, window_bounds = array<i64: 1, 128>}, {pipeline_mode = #tpu.pipeline_mode<synchronous>, transform_indices = @transform_2, window_bounds = array<i64: 1, 128>}, {pipeline_mode = #tpu.pipeline_mode<synchronous>, transform_indices = @transform_3, window_bounds = array<i64: 128, 16>}, {pipeline_mode = #tpu.pipeline_mode<synchronous>, transform_indices = @transform_4, window_bounds = array<i64: 1, 16>}, {pipeline_mode = #tpu.pipeline_mode<synchronous>, transform_indices = @transform_5, window_bounds = array<i64: 16, 1024>}, {transform_indices = @transform_6, window_bounds = array<i64: 8, 64, 16>}, {transform_indices = @transform_7, window_bounds = array<i64: 8, 64, 1024>}]} {
    %get3A = arith.constant 0 : index
    %get3A_0 = arith.constant 0 : index
    %get3A_1 = arith.constant 0 : index
    %get3A_2 = vector.load %arg1[%get3A, %get3A_0, %get3A_1] : memref<8x64x128xf32, #tpu.memory_space<vmem>>, vector<8x64x128xf32>
    %reshape3A = vector.shape_cast %get3A_2 : vector<8x64x128xf32> to vector<512x128xf32>
    %reduce_sum3A = arith.constant dense<0.000000e+00> : vector<512xf32>
    %reduce_sum3A_3 = vector.multi_reduction <add>, %reshape3A, %reduce_sum3A [1] : vector<512x128xf32> to vector<512xf32>
    %broadcast_in_dim3A = vector.shape_cast %reduce_sum3A_3 : vector<512xf32> to vector<512x1xf32>
    %div3A = arith.constant 1.280000e+02 : f32
    %div3A_4 = vector.broadcast %div3A : f32 to vector<512x1xf32>
    %div3A_5 = arith.divf %broadcast_in_dim3A, %div3A_4 : vector<512x1xf32>
    %sub3A = vector.broadcast %div3A_5 : vector<512x1xf32> to vector<512x128xf32>
    %sub3A_6 = arith.subf %reshape3A, %sub3A : vector<512x128xf32>
    %mul3A = arith.mulf %sub3A_6, %sub3A_6 : vector<512x128xf32>
    %reduce_sum3A_7 = arith.constant dense<0.000000e+00> : vector<512xf32>
    %reduce_sum3A_8 = vector.multi_reduction <add>, %mul3A, %reduce_sum3A_7 [1] : vector<512x128xf32> to vector<512xf32>
    %broadcast_in_dim3A_9 = vector.shape_cast %reduce_sum3A_8 : vector<512xf32> to vector<512x1xf32>
    %div3A_10 = arith.constant 1.280000e+02 : f32
    %div3A_11 = vector.broadcast %div3A_10 : f32 to vector<512x1xf32>
    %div3A_12 = arith.divf %broadcast_in_dim3A_9, %div3A_11 : vector<512x1xf32>
    %add3A = arith.constant 9.99999974E-6 : f32
    %add3A_13 = vector.broadcast %add3A : f32 to vector<512x1xf32>
    %add3A_14 = arith.addf %div3A_12, %add3A_13 : vector<512x1xf32>
    %rsqrt3A = math.rsqrt %add3A_14 : vector<512x1xf32>
    %mul3A_15 = vector.broadcast %rsqrt3A : vector<512x1xf32> to vector<512x128xf32>
    %mul3A_16 = arith.mulf %sub3A_6, %mul3A_15 : vector<512x128xf32>
    %get3A_17 = arith.constant 0 : index
    %get3A_18 = arith.constant 0 : index
    %get3A_19 = vector.load %arg2[%get3A_17, %get3A_18] : memref<1x128xf32, #tpu.memory_space<vmem>>, vector<1x128xf32>
    %get3A_20 = vector.shape_cast %get3A_19 : vector<1x128xf32> to vector<128xf32>
    %broadcast_in_dim3A_21 = vector.shape_cast %get3A_20 : vector<128xf32> to vector<1x128xf32>
    %mul3A_22 = vector.broadcast %broadcast_in_dim3A_21 : vector<1x128xf32> to vector<512x128xf32>
    %mul3A_23 = arith.mulf %mul3A_16, %mul3A_22 : vector<512x128xf32>
    %get3A_24 = arith.constant 0 : index
    %get3A_25 = arith.constant 0 : index
    %get3A_26 = vector.load %arg3[%get3A_24, %get3A_25] : memref<1x128xf32, #tpu.memory_space<vmem>>, vector<1x128xf32>
    %get3A_27 = vector.shape_cast %get3A_26 : vector<1x128xf32> to vector<128xf32>
    %broadcast_in_dim3A_28 = vector.shape_cast %get3A_27 : vector<128xf32> to vector<1x128xf32>
    %add3A_29 = vector.broadcast %broadcast_in_dim3A_28 : vector<1x128xf32> to vector<512x128xf32>
    %add3A_30 = arith.addf %mul3A_23, %add3A_29 : vector<512x128xf32>
    %get3A_31 = arith.constant 0 : index
    %get3A_32 = arith.constant 0 : index
    %get3A_33 = vector.load %arg4[%get3A_31, %get3A_32] : memref<128x16xf32, #tpu.memory_space<vmem>>, vector<128x16xf32>
    %dot_general3A = arith.constant dense<0.000000e+00> : vector<512x16xf32>
    %dot_general3A_34 = tpu.matmul %add3A_30, %get3A_33, %dot_general3A {dimension_numbers = #tpu.dot_dimension_numbers<[1], [0], [0], [1], [0, 0, 1, 1], [], []>, transpose_lhs_hint = false} : vector<512x128xf32>, vector<128x16xf32>, vector<512x16xf32> -> vector<512x16xf32>
    %get3A_35 = arith.constant 0 : index
    %get3A_36 = arith.constant 0 : index
    %get3A_37 = vector.load %arg5[%get3A_35, %get3A_36] : memref<1x16xf32, #tpu.memory_space<vmem>>, vector<1x16xf32>
    %get3A_38 = vector.shape_cast %get3A_37 : vector<1x16xf32> to vector<16xf32>
    %broadcast_in_dim3A_39 = vector.shape_cast %get3A_38 : vector<16xf32> to vector<1x16xf32>
    %add3A_40 = vector.broadcast %broadcast_in_dim3A_39 : vector<1x16xf32> to vector<512x16xf32>
    %add3A_41 = arith.addf %dot_general3A_34, %add3A_40 : vector<512x16xf32>
    %mul3A_42 = arith.constant 5.000000e-01 : f32
    %mul3A_43 = vector.broadcast %mul3A_42 : f32 to vector<512x16xf32>
    %mul3A_44 = arith.mulf %mul3A_43, %add3A_41 : vector<512x16xf32>
    %mul3A_45 = arith.constant 0.707106769 : f32
    %mul3A_46 = vector.broadcast %mul3A_45 : f32 to vector<512x16xf32>
    %mul3A_47 = arith.mulf %add3A_41, %mul3A_46 : vector<512x16xf32>
    %erf3A = math.erf %mul3A_47 : vector<512x16xf32>
    %add3A_48 = arith.constant 1.000000e+00 : f32
    %add3A_49 = vector.broadcast %add3A_48 : f32 to vector<512x16xf32>
    %add3A_50 = arith.addf %add3A_49, %erf3A : vector<512x16xf32>
    %mul3A_51 = arith.mulf %mul3A_44, %add3A_50 : vector<512x16xf32>
    %reshape3A_52 = vector.shape_cast %mul3A_51 : vector<512x16xf32> to vector<8x64x16xf32>
    %swap3A = arith.constant 0 : index
    %swap3A_53 = arith.constant 0 : index
    %swap3A_54 = arith.constant 0 : index
    %swap3A_55 = vector.load %arg7[%swap3A, %swap3A_53, %swap3A_54] : memref<8x64x16xf32, #tpu.memory_space<vmem>>, vector<8x64x16xf32>
    tpu.vector_store %arg7[%swap3A, %swap3A_53, %swap3A_54], %reshape3A_52 {strides = array<i32>} : memref<8x64x16xf32, #tpu.memory_space<vmem>>, vector<8x64x16xf32>,
    %get3A_56 = arith.constant 0 : index
    %get3A_57 = arith.constant 0 : index
    %get3A_58 = vector.load %arg6[%get3A_56, %get3A_57] : memref<16x1024xf32, #tpu.memory_space<vmem>>, vector<16x1024xf32>
    %dot_general3A_59 = arith.constant dense<0.000000e+00> : vector<512x1024xf32>
    %dot_general3A_60 = tpu.matmul %mul3A_51, %get3A_58, %dot_general3A_59 {dimension_numbers = #tpu.dot_dimension_numbers<[1], [0], [0], [1], [0, 0, 1, 1], [], []>, transpose_lhs_hint = false} : vector<512x16xf32>, vector<16x1024xf32>, vector<512x1024xf32> -> vector<512x1024xf32>
    %reshape3A_61 = vector.shape_cast %dot_general3A_60 : vector<512x1024xf32> to vector<8x64x1024xf32>
    %swap3A_62 = arith.constant 0 : index
    %swap3A_63 = arith.constant 0 : index
    %swap3A_64 = arith.constant 0 : index
    %swap3A_65 = vector.load %arg8[%swap3A_62, %swap3A_63, %swap3A_64] : memref<8x64x1024xf32, #tpu.memory_space<vmem>>, vector<8x64x1024xf32>
    tpu.vector_store %arg8[%swap3A_62, %swap3A_63, %swap3A_64], %reshape3A_61 {strides = array<i32>} : memref<8x64x1024xf32, #tpu.memory_space<vmem>>, vector<8x64x1024xf32>,
    return
  }
  func.func @transform_0(%arg0: i32) -> (i32, i32, i32) {
    %c0_i32 = arith.constant 0 : i32
    %c0_i32_0 = arith.constant 0 : i32
    %c0_i32_1 = arith.constant 0 : i32
    return %arg0, %c0_i32, %c0_i32_0 : i32, i32, i32
  }
  func.func @transform_1(%arg0: i32) -> (i32, i32) {
    %c0_i32 = arith.constant 0 : i32
    %c0_i32_0 = arith.constant 0 : i32
    %c0_i32_1 = arith.constant 0 : i32
    return %c0_i32, %c0_i32_0 : i32, i32
  }
  func.func @transform_2(%arg0: i32) -> (i32, i32) {
    %c0_i32 = arith.constant 0 : i32
    %c0_i32_0 = arith.constant 0 : i32
    %c0_i32_1 = arith.constant 0 : i32
    return %c0_i32, %c0_i32_0 : i32, i32
  }
  func.func @transform_3(%arg0: i32) -> (i32, i32) {
    %c0_i32 = arith.constant 0 : i32
    %c0_i32_0 = arith.constant 0 : i32
    %c0_i32_1 = arith.constant 0 : i32
    return %c0_i32, %c0_i32_0 : i32, i32
  }
  func.func @transform_4(%arg0: i32) -> (i32, i32) {
    %c0_i32 = arith.constant 0 : i32
    %c0_i32_0 = arith.constant 0 : i32
    %c0_i32_1 = arith.constant 0 : i32
    return %c0_i32, %c0_i32_0 : i32, i32
  }
  func.func @transform_5(%arg0: i32) -> (i32, i32) {
    %c0_i32 = arith.constant 0 : i32
    %c0_i32_0 = arith.constant 0 : i32
    %c0_i32_1 = arith.constant 0 : i32
    return %c0_i32, %c0_i32_0 : i32, i32
  }
  func.func @transform_6(%arg0: i32) -> (i32, i32, i32) {
    %c0_i32 = arith.constant 0 : i32
    %c0_i32_0 = arith.constant 0 : i32
    %c0_i32_1 = arith.constant 0 : i32
    return %arg0, %c0_i32, %c0_i32_0 : i32, i32, i32
  }
  func.func @transform_7(%arg0: i32) -> (i32, i32, i32) {
    %c0_i32 = arith.constant 0 : i32
    %c0_i32_0 = arith.constant 0 : i32
    %c0_i32_1 = arith.constant 0 : i32
    return %arg0, %c0_i32, %c0_i32_0 : i32, i32, i32
  }
}

module attributes {stable_mosaic.version = 14 : i64} {
  func.func @_main_body(%arg0: i32, %arg1: memref<4x64x16xf32, #tpu.memory_space<vmem>>, %arg2: memref<4x512x32xf32, #tpu.memory_space<vmem>>, %arg3: memref<4x4096x16xf32, #tpu.memory_space<vmem>>, %arg4: memref<32x512xf32, #tpu.memory_space<vmem>>, %arg5: memref<1x512xf32, #tpu.memory_space<vmem>>, %arg6: memref<16x16xf32, #tpu.memory_space<vmem>>, %arg7: memref<16x16xf32, #tpu.memory_space<vmem>>, %arg8: memref<1x16xf32, #tpu.memory_space<vmem>>, %arg9: memref<16x32xf32, #tpu.memory_space<vmem>>, %arg10: memref<1x32xf32, #tpu.memory_space<vmem>>, %arg11: memref<32x16xf32, #tpu.memory_space<vmem>>, %arg12: memref<1x16xf32, #tpu.memory_space<vmem>>, %arg13: memref<1x16xf32, #tpu.memory_space<vmem>>, %arg14: memref<1x16xf32, #tpu.memory_space<vmem>>, %arg15: memref<4x64x16xf32, #tpu.memory_space<vmem>>) attributes {dimension_semantics = [#tpu.dimension_semantics<arbitrary>], iteration_bounds = array<i64: 16>, scalar_prefetch = 0 : i64, scratch_operands = 0 : i64, tpu.core_type = #tpu.core_type<tc>, window_params = [{transform_indices = @transform_0, window_bounds = array<i64: 4, 64, 16>}, {transform_indices = @transform_1, window_bounds = array<i64: 4, 512, 32>}, {transform_indices = @transform_2, window_bounds = array<i64: 4, 4096, 16>}, {pipeline_mode = #tpu.pipeline_mode<synchronous>, transform_indices = @transform_3, window_bounds = array<i64: 32, 512>}, {pipeline_mode = #tpu.pipeline_mode<synchronous>, transform_indices = @transform_4, window_bounds = array<i64: 1, 512>}, {pipeline_mode = #tpu.pipeline_mode<synchronous>, transform_indices = @transform_5, window_bounds = array<i64: 16, 16>}, {pipeline_mode = #tpu.pipeline_mode<synchronous>, transform_indices = @transform_6, window_bounds = array<i64: 16, 16>}, {pipeline_mode = #tpu.pipeline_mode<synchronous>, transform_indices = @transform_7, window_bounds = array<i64: 1, 16>}, {pipeline_mode = #tpu.pipeline_mode<synchronous>, transform_indices = @transform_8, window_bounds = array<i64: 16, 32>}, {pipeline_mode = #tpu.pipeline_mode<synchronous>, transform_indices = @transform_9, window_bounds = array<i64: 1, 32>}, {pipeline_mode = #tpu.pipeline_mode<synchronous>, transform_indices = @transform_10, window_bounds = array<i64: 32, 16>}, {pipeline_mode = #tpu.pipeline_mode<synchronous>, transform_indices = @transform_11, window_bounds = array<i64: 1, 16>}, {pipeline_mode = #tpu.pipeline_mode<synchronous>, transform_indices = @transform_12, window_bounds = array<i64: 1, 16>}, {pipeline_mode = #tpu.pipeline_mode<synchronous>, transform_indices = @transform_13, window_bounds = array<i64: 1, 16>}, {transform_indices = @transform_14, window_bounds = array<i64: 4, 64, 16>}]} {
    %get3A = arith.constant 0 : index
    %get3A_0 = arith.constant 0 : index
    %get3A_1 = arith.constant 0 : index
    %get3A_2 = vector.load %arg2[%get3A, %get3A_0, %get3A_1] : memref<4x512x32xf32, #tpu.memory_space<vmem>>, vector<4x512x32xf32>
    %reshape3A = vector.shape_cast %get3A_2 : vector<4x512x32xf32> to vector<2048x32xf32>
    %get3A_3 = arith.constant 0 : index
    %get3A_4 = arith.constant 0 : index
    %get3A_5 = vector.load %arg4[%get3A_3, %get3A_4] : memref<32x512xf32, #tpu.memory_space<vmem>>, vector<32x512xf32>
    %dot_general3A = arith.constant dense<0.000000e+00> : vector<2048x512xf32>
    %dot_general3A_6 = tpu.matmul %reshape3A, %get3A_5, %dot_general3A {dimension_numbers = #tpu.dot_dimension_numbers<[1], [0], [0], [1], [0, 0, 1, 1], [], []>, transpose_lhs_hint = false} : vector<2048x32xf32>, vector<32x512xf32>, vector<2048x512xf32> -> vector<2048x512xf32>
    %get3A_7 = arith.constant 0 : index
    %get3A_8 = arith.constant 0 : index
    %get3A_9 = vector.load %arg5[%get3A_7, %get3A_8] : memref<1x512xf32, #tpu.memory_space<vmem>>, vector<1x512xf32>
    %get3A_10 = vector.shape_cast %get3A_9 : vector<1x512xf32> to vector<512xf32>
    %broadcast_in_dim3A = vector.shape_cast %get3A_10 : vector<512xf32> to vector<1x512xf32>
    %add3A = vector.broadcast %broadcast_in_dim3A : vector<1x512xf32> to vector<2048x512xf32>
    %add3A_11 = arith.addf %dot_general3A_6, %add3A : vector<2048x512xf32>
    %mul3A = arith.constant 5.000000e-01 : f32
    %mul3A_12 = vector.broadcast %mul3A : f32 to vector<2048x512xf32>
    %mul3A_13 = arith.mulf %mul3A_12, %add3A_11 : vector<2048x512xf32>
    %mul3A_14 = arith.constant 0.707106769 : f32
    %mul3A_15 = vector.broadcast %mul3A_14 : f32 to vector<2048x512xf32>
    %mul3A_16 = arith.mulf %add3A_11, %mul3A_15 : vector<2048x512xf32>
    %erf3A = math.erf %mul3A_16 : vector<2048x512xf32>
    %add3A_17 = arith.constant 1.000000e+00 : f32
    %add3A_18 = vector.broadcast %add3A_17 : f32 to vector<2048x512xf32>
    %add3A_19 = arith.addf %add3A_18, %erf3A : vector<2048x512xf32>
    %mul3A_20 = arith.mulf %mul3A_13, %add3A_19 : vector<2048x512xf32>
    %iota3A = tpu.iota {dimensions = array<i32: 0>} : vector<2048x512xi32>
    %iota3A_21 = tpu.iota {dimensions = array<i32: 1>} : vector<2048x512xi32>
    %jit3A = arith.constant 512 : i32
    %eq3A = arith.constant 0 : i32
    %eq3A_22 = arith.cmpi eq, %jit3A, %eq3A : i32
    %jit3A_23 = arith.constant 1 : i32
    %select_n3A = arith.select %eq3A_22, %jit3A_23, %jit3A : i32
    %rem3A = vector.broadcast %select_n3A : i32 to vector<2048x512xi32>
    %rem3A_24 = arith.remsi %iota3A, %rem3A : vector<2048x512xi32>
    %ne3A = arith.constant 0 : i32
    %ne3A_25 = vector.broadcast %ne3A : i32 to vector<2048x512xi32>
    %ne3A_26 = arith.cmpi ne, %rem3A_24, %ne3A_25 : vector<2048x512xi32>
    %lt3A = arith.constant 0 : i32
    %lt3A_27 = vector.broadcast %lt3A : i32 to vector<2048x512xi32>
    %lt3A_28 = arith.cmpi slt, %rem3A_24, %lt3A_27 : vector<2048x512xi32>
    %lt3A_29 = arith.constant 0 : i32
    %lt3A_30 = arith.cmpi slt, %select_n3A, %lt3A_29 : i32
    %ne3A_31 = vector.broadcast %lt3A_30 : i1 to vector<2048x512xi1>
    %ne3A_32 = vector.broadcast %ne3A_31 : vector<2048x512xi1> to vector<2048x512xi1>
    %ne3A_33 = arith.xori %lt3A_28, %ne3A_32 : vector<2048x512xi1>
    %and3A = arith.andi %ne3A_33, %ne3A_26 : vector<2048x512xi1>
    %add3A_34 = vector.broadcast %select_n3A : i32 to vector<2048x512xi32>
    %add3A_35 = arith.addi %rem3A_24, %add3A_34 : vector<2048x512xi32>
    %select_n3A_36 = arith.select %and3A, %add3A_35, %rem3A_24 : vector<2048x512xi1>, vector<2048x512xi32>
    %jit3A_37 = arith.constant 64 : i32
    %div3A = vector.broadcast %jit3A_37 : i32 to vector<2048x512xi32>
    %div3A_38 = arith.divsi %select_n3A_36, %div3A : vector<2048x512xi32>
    %sign3A = arith.constant 0 : i32
    %sign3A_39 = vector.broadcast %sign3A : i32 to vector<2048x512xi32>
    %sign3A_40 = arith.cmpi sgt, %select_n3A_36, %sign3A_39 : vector<2048x512xi32>
    %sign3A_41 = arith.extui %sign3A_40 : vector<2048x512xi1> to vector<2048x512xi32>
    %sign3A_42 = arith.constant 0 : i32
    %sign3A_43 = vector.broadcast %sign3A_42 : i32 to vector<2048x512xi32>
    %sign3A_44 = arith.cmpi slt, %select_n3A_36, %sign3A_43 : vector<2048x512xi32>
    %sign3A_45 = arith.extui %sign3A_44 : vector<2048x512xi1> to vector<2048x512xi32>
    %sign3A_46 = arith.subi %sign3A_41, %sign3A_45 : vector<2048x512xi32>
    %sign3A_47 = arith.constant 0 : i32
    %sign3A_48 = arith.cmpi sgt, %jit3A_37, %sign3A_47 : i32
    %sign3A_49 = arith.extui %sign3A_48 : i1 to i32
    %sign3A_50 = arith.constant 0 : i32
    %sign3A_51 = arith.cmpi slt, %jit3A_37, %sign3A_50 : i32
    %sign3A_52 = arith.extui %sign3A_51 : i1 to i32
    %sign3A_53 = arith.subi %sign3A_49, %sign3A_52 : i32
    %ne3A_54 = vector.broadcast %sign3A_53 : i32 to vector<2048x512xi32>
    %ne3A_55 = arith.cmpi ne, %sign3A_46, %ne3A_54 : vector<2048x512xi32>
    %rem3A_56 = vector.broadcast %jit3A_37 : i32 to vector<2048x512xi32>
    %rem3A_57 = arith.remsi %select_n3A_36, %rem3A_56 : vector<2048x512xi32>
    %ne3A_58 = arith.constant 0 : i32
    %ne3A_59 = vector.broadcast %ne3A_58 : i32 to vector<2048x512xi32>
    %ne3A_60 = arith.cmpi ne, %rem3A_57, %ne3A_59 : vector<2048x512xi32>
    %and3A_61 = arith.andi %ne3A_55, %ne3A_60 : vector<2048x512xi1>
    %sub3A = arith.constant 1 : i32
    %sub3A_62 = vector.broadcast %sub3A : i32 to vector<2048x512xi32>
    %sub3A_63 = arith.subi %div3A_38, %sub3A_62 : vector<2048x512xi32>
    %select_n3A_64 = arith.select %and3A_61, %sub3A_63, %div3A_38 : vector<2048x512xi1>, vector<2048x512xi32>
    %mul3A_65 = arith.constant 8 : i32
    %mul3A_66 = vector.broadcast %mul3A_65 : i32 to vector<2048x512xi32>
    %mul3A_67 = arith.muli %mul3A_66, %select_n3A_64 : vector<2048x512xi32>
    %jit3A_68 = arith.constant 64 : i32
    %div3A_69 = vector.broadcast %jit3A_68 : i32 to vector<2048x512xi32>
    %div3A_70 = arith.divsi %iota3A_21, %div3A_69 : vector<2048x512xi32>
    %sign3A_71 = arith.constant 0 : i32
    %sign3A_72 = vector.broadcast %sign3A_71 : i32 to vector<2048x512xi32>
    %sign3A_73 = arith.cmpi sgt, %iota3A_21, %sign3A_72 : vector<2048x512xi32>
    %sign3A_74 = arith.extui %sign3A_73 : vector<2048x512xi1> to vector<2048x512xi32>
    %sign3A_75 = arith.constant 0 : i32
    %sign3A_76 = vector.broadcast %sign3A_75 : i32 to vector<2048x512xi32>
    %sign3A_77 = arith.cmpi slt, %iota3A_21, %sign3A_76 : vector<2048x512xi32>
    %sign3A_78 = arith.extui %sign3A_77 : vector<2048x512xi1> to vector<2048x512xi32>
    %sign3A_79 = arith.subi %sign3A_74, %sign3A_78 : vector<2048x512xi32>
    %sign3A_80 = arith.constant 0 : i32
    %sign3A_81 = arith.cmpi sgt, %jit3A_68, %sign3A_80 : i32
    %sign3A_82 = arith.extui %sign3A_81 : i1 to i32
    %sign3A_83 = arith.constant 0 : i32
    %sign3A_84 = arith.cmpi slt, %jit3A_68, %sign3A_83 : i32
    %sign3A_85 = arith.extui %sign3A_84 : i1 to i32
    %sign3A_86 = arith.subi %sign3A_82, %sign3A_85 : i32
    %ne3A_87 = vector.broadcast %sign3A_86 : i32 to vector<2048x512xi32>
    %ne3A_88 = arith.cmpi ne, %sign3A_79, %ne3A_87 : vector<2048x512xi32>
    %rem3A_89 = vector.broadcast %jit3A_68 : i32 to vector<2048x512xi32>
    %rem3A_90 = arith.remsi %iota3A_21, %rem3A_89 : vector<2048x512xi32>
    %ne3A_91 = arith.constant 0 : i32
    %ne3A_92 = vector.broadcast %ne3A_91 : i32 to vector<2048x512xi32>
    %ne3A_93 = arith.cmpi ne, %rem3A_90, %ne3A_92 : vector<2048x512xi32>
    %and3A_94 = arith.andi %ne3A_88, %ne3A_93 : vector<2048x512xi1>
    %sub3A_95 = arith.constant 1 : i32
    %sub3A_96 = vector.broadcast %sub3A_95 : i32 to vector<2048x512xi32>
    %sub3A_97 = arith.subi %div3A_70, %sub3A_96 : vector<2048x512xi32>
    %select_n3A_98 = arith.select %and3A_94, %sub3A_97, %div3A_70 : vector<2048x512xi1>, vector<2048x512xi32>
    %add3A_99 = arith.addi %mul3A_67, %select_n3A_98 : vector<2048x512xi32>
    %jit3A_100 = arith.constant 64 : i32
    %eq3A_101 = arith.constant 0 : i32
    %eq3A_102 = arith.cmpi eq, %jit3A_100, %eq3A_101 : i32
    %jit3A_103 = arith.constant 1 : i32
    %select_n3A_104 = arith.select %eq3A_102, %jit3A_103, %jit3A_100 : i32
    %rem3A_105 = vector.broadcast %select_n3A_104 : i32 to vector<2048x512xi32>
    %rem3A_106 = arith.remsi %iota3A, %rem3A_105 : vector<2048x512xi32>
    %ne3A_107 = arith.constant 0 : i32
    %ne3A_108 = vector.broadcast %ne3A_107 : i32 to vector<2048x512xi32>
    %ne3A_109 = arith.cmpi ne, %rem3A_106, %ne3A_108 : vector<2048x512xi32>
    %lt3A_110 = arith.constant 0 : i32
    %lt3A_111 = vector.broadcast %lt3A_110 : i32 to vector<2048x512xi32>
    %lt3A_112 = arith.cmpi slt, %rem3A_106, %lt3A_111 : vector<2048x512xi32>
    %lt3A_113 = arith.constant 0 : i32
    %lt3A_114 = arith.cmpi slt, %select_n3A_104, %lt3A_113 : i32
    %ne3A_115 = vector.broadcast %lt3A_114 : i1 to vector<2048x512xi1>
    %ne3A_116 = vector.broadcast %ne3A_115 : vector<2048x512xi1> to vector<2048x512xi1>
    %ne3A_117 = arith.xori %lt3A_112, %ne3A_116 : vector<2048x512xi1>
    %and3A_118 = arith.andi %ne3A_117, %ne3A_109 : vector<2048x512xi1>
    %add3A_119 = vector.broadcast %select_n3A_104 : i32 to vector<2048x512xi32>
    %add3A_120 = arith.addi %rem3A_106, %add3A_119 : vector<2048x512xi32>
    %select_n3A_121 = arith.select %and3A_118, %add3A_120, %rem3A_106 : vector<2048x512xi1>, vector<2048x512xi32>
    %eq3A_122 = arith.cmpi eq, %add3A_99, %select_n3A_121 : vector<2048x512xi32>
    %jit3A_123 = arith.constant 0.000000e+00 : f32
    %broadcast_in_dim3A_124 = vector.broadcast %jit3A_123 : f32 to vector<2048x512xf32>
    %select_n3A_125 = arith.select %eq3A_122, %broadcast_in_dim3A_124, %mul3A_20 : vector<2048x512xi1>, vector<2048x512xf32>
    %get3A_126 = arith.constant 0 : index
    %get3A_127 = arith.constant 0 : index
    %get3A_128 = arith.constant 0 : index
    %get3A_129 = vector.load %arg1[%get3A_126, %get3A_127, %get3A_128] : memref<4x64x16xf32, #tpu.memory_space<vmem>>, vector<1x64x16xf32>
    %get3A_130 = vector.shape_cast %get3A_129 : vector<1x64x16xf32> to vector<64x16xf32>
    %broadcast_in_dim3A_131 = arith.constant 0.000000e+00 : f32
    %broadcast_in_dim3A_132 = vector.broadcast %broadcast_in_dim3A_131 : f32 to vector<64x16xf32>
    %slice3A = vector.extract_strided_slice %select_n3A_125 {offsets = [0, 0], sizes = [64, 512], strides = [1, 1]} : vector<2048x512xf32> to vector<64x512xf32>
    %get3A_133 = arith.constant 0 : index
    %get3A_134 = arith.constant 0 : index
    %get3A_135 = arith.constant 0 : index
    %get3A_136 = vector.load %arg3[%get3A_133, %get3A_134, %get3A_135] : memref<4x4096x16xf32, #tpu.memory_space<vmem>>, vector<1x512x16xf32>
    %get3A_137 = vector.shape_cast %get3A_136 : vector<1x512x16xf32> to vector<512x16xf32>
    %dot_general3A_138 = arith.constant dense<0.000000e+00> : vector<64x16xf32>
    %dot_general3A_139 = tpu.matmul %slice3A, %get3A_137, %dot_general3A_138 {dimension_numbers = #tpu.dot_dimension_numbers<[1], [0], [0], [1], [0, 0, 1, 1], [], []>, transpose_lhs_hint = false} : vector<64x512xf32>, vector<512x16xf32>, vector<64x16xf32> -> vector<64x16xf32>
    %add3A_140 = arith.addf %broadcast_in_dim3A_132, %dot_general3A_139 : vector<64x16xf32>
    %slice3A_141 = vector.extract_strided_slice %select_n3A_125 {offsets = [64, 0], sizes = [64, 512], strides = [1, 1]} : vector<2048x512xf32> to vector<64x512xf32>
    %get3A_142 = arith.constant 0 : index
    %get3A_143 = arith.constant 512 : index
    %get3A_144 = arith.constant 0 : index
    %get3A_145 = vector.load %arg3[%get3A_142, %get3A_143, %get3A_144] : memref<4x4096x16xf32, #tpu.memory_space<vmem>>, vector<1x512x16xf32>
    %get3A_146 = vector.shape_cast %get3A_145 : vector<1x512x16xf32> to vector<512x16xf32>
    %dot_general3A_147 = arith.constant dense<0.000000e+00> : vector<64x16xf32>
    %dot_general3A_148 = tpu.matmul %slice3A_141, %get3A_146, %dot_general3A_147 {dimension_numbers = #tpu.dot_dimension_numbers<[1], [0], [0], [1], [0, 0, 1, 1], [], []>, transpose_lhs_hint = false} : vector<64x512xf32>, vector<512x16xf32>, vector<64x16xf32> -> vector<64x16xf32>
    %add3A_149 = arith.addf %add3A_140, %dot_general3A_148 : vector<64x16xf32>
    %slice3A_150 = vector.extract_strided_slice %select_n3A_125 {offsets = [128, 0], sizes = [64, 512], strides = [1, 1]} : vector<2048x512xf32> to vector<64x512xf32>
    %get3A_151 = arith.constant 0 : index
    %get3A_152 = arith.constant 1024 : index
    %get3A_153 = arith.constant 0 : index
    %get3A_154 = vector.load %arg3[%get3A_151, %get3A_152, %get3A_153] : memref<4x4096x16xf32, #tpu.memory_space<vmem>>, vector<1x512x16xf32>
    %get3A_155 = vector.shape_cast %get3A_154 : vector<1x512x16xf32> to vector<512x16xf32>
    %dot_general3A_156 = arith.constant dense<0.000000e+00> : vector<64x16xf32>
    %dot_general3A_157 = tpu.matmul %slice3A_150, %get3A_155, %dot_general3A_156 {dimension_numbers = #tpu.dot_dimension_numbers<[1], [0], [0], [1], [0, 0, 1, 1], [], []>, transpose_lhs_hint = false} : vector<64x512xf32>, vector<512x16xf32>, vector<64x16xf32> -> vector<64x16xf32>
    %add3A_158 = arith.addf %add3A_149, %dot_general3A_157 : vector<64x16xf32>
    %slice3A_159 = vector.extract_strided_slice %select_n3A_125 {offsets = [192, 0], sizes = [64, 512], strides = [1, 1]} : vector<2048x512xf32> to vector<64x512xf32>
    %get3A_160 = arith.constant 0 : index
    %get3A_161 = arith.constant 1536 : index
    %get3A_162 = arith.constant 0 : index
    %get3A_163 = vector.load %arg3[%get3A_160, %get3A_161, %get3A_162] : memref<4x4096x16xf32, #tpu.memory_space<vmem>>, vector<1x512x16xf32>
    %get3A_164 = vector.shape_cast %get3A_163 : vector<1x512x16xf32> to vector<512x16xf32>
    %dot_general3A_165 = arith.constant dense<0.000000e+00> : vector<64x16xf32>
    %dot_general3A_166 = tpu.matmul %slice3A_159, %get3A_164, %dot_general3A_165 {dimension_numbers = #tpu.dot_dimension_numbers<[1], [0], [0], [1], [0, 0, 1, 1], [], []>, transpose_lhs_hint = false} : vector<64x512xf32>, vector<512x16xf32>, vector<64x16xf32> -> vector<64x16xf32>
    %add3A_167 = arith.addf %add3A_158, %dot_general3A_166 : vector<64x16xf32>
    %slice3A_168 = vector.extract_strided_slice %select_n3A_125 {offsets = [256, 0], sizes = [64, 512], strides = [1, 1]} : vector<2048x512xf32> to vector<64x512xf32>
    %get3A_169 = arith.constant 0 : index
    %get3A_170 = arith.constant 2048 : index
    %get3A_171 = arith.constant 0 : index
    %get3A_172 = vector.load %arg3[%get3A_169, %get3A_170, %get3A_171] : memref<4x4096x16xf32, #tpu.memory_space<vmem>>, vector<1x512x16xf32>
    %get3A_173 = vector.shape_cast %get3A_172 : vector<1x512x16xf32> to vector<512x16xf32>
    %dot_general3A_174 = arith.constant dense<0.000000e+00> : vector<64x16xf32>
    %dot_general3A_175 = tpu.matmul %slice3A_168, %get3A_173, %dot_general3A_174 {dimension_numbers = #tpu.dot_dimension_numbers<[1], [0], [0], [1], [0, 0, 1, 1], [], []>, transpose_lhs_hint = false} : vector<64x512xf32>, vector<512x16xf32>, vector<64x16xf32> -> vector<64x16xf32>
    %add3A_176 = arith.addf %add3A_167, %dot_general3A_175 : vector<64x16xf32>
    %slice3A_177 = vector.extract_strided_slice %select_n3A_125 {offsets = [320, 0], sizes = [64, 512], strides = [1, 1]} : vector<2048x512xf32> to vector<64x512xf32>
    %get3A_178 = arith.constant 0 : index
    %get3A_179 = arith.constant 2560 : index
    %get3A_180 = arith.constant 0 : index
    %get3A_181 = vector.load %arg3[%get3A_178, %get3A_179, %get3A_180] : memref<4x4096x16xf32, #tpu.memory_space<vmem>>, vector<1x512x16xf32>
    %get3A_182 = vector.shape_cast %get3A_181 : vector<1x512x16xf32> to vector<512x16xf32>
    %dot_general3A_183 = arith.constant dense<0.000000e+00> : vector<64x16xf32>
    %dot_general3A_184 = tpu.matmul %slice3A_177, %get3A_182, %dot_general3A_183 {dimension_numbers = #tpu.dot_dimension_numbers<[1], [0], [0], [1], [0, 0, 1, 1], [], []>, transpose_lhs_hint = false} : vector<64x512xf32>, vector<512x16xf32>, vector<64x16xf32> -> vector<64x16xf32>
    %add3A_185 = arith.addf %add3A_176, %dot_general3A_184 : vector<64x16xf32>
    %slice3A_186 = vector.extract_strided_slice %select_n3A_125 {offsets = [384, 0], sizes = [64, 512], strides = [1, 1]} : vector<2048x512xf32> to vector<64x512xf32>
    %get3A_187 = arith.constant 0 : index
    %get3A_188 = arith.constant 3072 : index
    %get3A_189 = arith.constant 0 : index
    %get3A_190 = vector.load %arg3[%get3A_187, %get3A_188, %get3A_189] : memref<4x4096x16xf32, #tpu.memory_space<vmem>>, vector<1x512x16xf32>
    %get3A_191 = vector.shape_cast %get3A_190 : vector<1x512x16xf32> to vector<512x16xf32>
    %dot_general3A_192 = arith.constant dense<0.000000e+00> : vector<64x16xf32>
    %dot_general3A_193 = tpu.matmul %slice3A_186, %get3A_191, %dot_general3A_192 {dimension_numbers = #tpu.dot_dimension_numbers<[1], [0], [0], [1], [0, 0, 1, 1], [], []>, transpose_lhs_hint = false} : vector<64x512xf32>, vector<512x16xf32>, vector<64x16xf32> -> vector<64x16xf32>
    %add3A_194 = arith.addf %add3A_185, %dot_general3A_193 : vector<64x16xf32>
    %slice3A_195 = vector.extract_strided_slice %select_n3A_125 {offsets = [448, 0], sizes = [64, 512], strides = [1, 1]} : vector<2048x512xf32> to vector<64x512xf32>
    %get3A_196 = arith.constant 0 : index
    %get3A_197 = arith.constant 3584 : index
    %get3A_198 = arith.constant 0 : index
    %get3A_199 = vector.load %arg3[%get3A_196, %get3A_197, %get3A_198] : memref<4x4096x16xf32, #tpu.memory_space<vmem>>, vector<1x512x16xf32>
    %get3A_200 = vector.shape_cast %get3A_199 : vector<1x512x16xf32> to vector<512x16xf32>
    %dot_general3A_201 = arith.constant dense<0.000000e+00> : vector<64x16xf32>
    %dot_general3A_202 = tpu.matmul %slice3A_195, %get3A_200, %dot_general3A_201 {dimension_numbers = #tpu.dot_dimension_numbers<[1], [0], [0], [1], [0, 0, 1, 1], [], []>, transpose_lhs_hint = false} : vector<64x512xf32>, vector<512x16xf32>, vector<64x16xf32> -> vector<64x16xf32>
    %add3A_203 = arith.addf %add3A_194, %dot_general3A_202 : vector<64x16xf32>
    %reduce_sum3A = arith.constant dense<0.000000e+00> : vector<16xf32>
    %reduce_sum3A_204 = vector.multi_reduction <add>, %get3A_130, %reduce_sum3A [0] : vector<64x16xf32> to vector<16xf32>
    %broadcast_in_dim3A_205 = vector.shape_cast %reduce_sum3A_204 : vector<16xf32> to vector<1x16xf32>
    %sub3A_206 = vector.broadcast %broadcast_in_dim3A_205 : vector<1x16xf32> to vector<64x16xf32>
    %sub3A_207 = arith.subf %sub3A_206, %get3A_130 : vector<64x16xf32>
    %get3A_208 = arith.constant 0 : index
    %get3A_209 = arith.constant 0 : index
    %get3A_210 = vector.load %arg6[%get3A_208, %get3A_209] : memref<16x16xf32, #tpu.memory_space<vmem>>, vector<16x16xf32>
    %dot_general3A_211 = arith.constant dense<0.000000e+00> : vector<64x16xf32>
    %dot_general3A_212 = tpu.matmul %sub3A_207, %get3A_210, %dot_general3A_211 {dimension_numbers = #tpu.dot_dimension_numbers<[1], [0], [0], [1], [0, 0, 1, 1], [], []>, transpose_lhs_hint = false} : vector<64x16xf32>, vector<16x16xf32>, vector<64x16xf32> -> vector<64x16xf32>
    %add3A_213 = arith.addf %add3A_203, %dot_general3A_212 : vector<64x16xf32>
    %mul3A_214 = arith.constant 0.0158730168 : f32
    %mul3A_215 = vector.broadcast %mul3A_214 : f32 to vector<64x16xf32>
    %mul3A_216 = arith.mulf %add3A_213, %mul3A_215 : vector<64x16xf32>
    %get3A_217 = arith.constant 0 : index
    %get3A_218 = arith.constant 0 : index
    %get3A_219 = vector.load %arg7[%get3A_217, %get3A_218] : memref<16x16xf32, #tpu.memory_space<vmem>>, vector<16x16xf32>
    %dot_general3A_220 = arith.constant dense<0.000000e+00> : vector<64x16xf32>
    %dot_general3A_221 = tpu.matmul %get3A_130, %get3A_219, %dot_general3A_220 {dimension_numbers = #tpu.dot_dimension_numbers<[1], [0], [0], [1], [0, 0, 1, 1], [], []>, transpose_lhs_hint = false} : vector<64x16xf32>, vector<16x16xf32>, vector<64x16xf32> -> vector<64x16xf32>
    %add3A_222 = arith.addf %mul3A_216, %dot_general3A_221 : vector<64x16xf32>
    %get3A_223 = arith.constant 0 : index
    %get3A_224 = arith.constant 0 : index
    %get3A_225 = vector.load %arg8[%get3A_223, %get3A_224] : memref<1x16xf32, #tpu.memory_space<vmem>>, vector<1x16xf32>
    %get3A_226 = vector.shape_cast %get3A_225 : vector<1x16xf32> to vector<16xf32>
    %broadcast_in_dim3A_227 = vector.shape_cast %get3A_226 : vector<16xf32> to vector<1x16xf32>
    %add3A_228 = vector.broadcast %broadcast_in_dim3A_227 : vector<1x16xf32> to vector<64x16xf32>
    %add3A_229 = arith.addf %add3A_222, %add3A_228 : vector<64x16xf32>
    %mul3A_230 = arith.constant 5.000000e-01 : f32
    %mul3A_231 = vector.broadcast %mul3A_230 : f32 to vector<64x16xf32>
    %mul3A_232 = arith.mulf %mul3A_231, %add3A_229 : vector<64x16xf32>
    %mul3A_233 = arith.constant 0.707106769 : f32
    %mul3A_234 = vector.broadcast %mul3A_233 : f32 to vector<64x16xf32>
    %mul3A_235 = arith.mulf %add3A_229, %mul3A_234 : vector<64x16xf32>
    %erf3A_236 = math.erf %mul3A_235 : vector<64x16xf32>
    %add3A_237 = arith.constant 1.000000e+00 : f32
    %add3A_238 = vector.broadcast %add3A_237 : f32 to vector<64x16xf32>
    %add3A_239 = arith.addf %add3A_238, %erf3A_236 : vector<64x16xf32>
    %mul3A_240 = arith.mulf %mul3A_232, %add3A_239 : vector<64x16xf32>
    %add3A_241 = arith.addf %get3A_130, %mul3A_240 : vector<64x16xf32>
    %get3A_242 = arith.constant 0 : index
    %get3A_243 = arith.constant 0 : index
    %get3A_244 = vector.load %arg9[%get3A_242, %get3A_243] : memref<16x32xf32, #tpu.memory_space<vmem>>, vector<16x32xf32>
    %dot_general3A_245 = arith.constant dense<0.000000e+00> : vector<64x32xf32>
    %dot_general3A_246 = tpu.matmul %add3A_241, %get3A_244, %dot_general3A_245 {dimension_numbers = #tpu.dot_dimension_numbers<[1], [0], [0], [1], [0, 0, 1, 1], [], []>, transpose_lhs_hint = false} : vector<64x16xf32>, vector<16x32xf32>, vector<64x32xf32> -> vector<64x32xf32>
    %get3A_247 = arith.constant 0 : index
    %get3A_248 = arith.constant 0 : index
    %get3A_249 = vector.load %arg10[%get3A_247, %get3A_248] : memref<1x32xf32, #tpu.memory_space<vmem>>, vector<1x32xf32>
    %get3A_250 = vector.shape_cast %get3A_249 : vector<1x32xf32> to vector<32xf32>
    %broadcast_in_dim3A_251 = vector.shape_cast %get3A_250 : vector<32xf32> to vector<1x32xf32>
    %add3A_252 = vector.broadcast %broadcast_in_dim3A_251 : vector<1x32xf32> to vector<64x32xf32>
    %add3A_253 = arith.addf %dot_general3A_246, %add3A_252 : vector<64x32xf32>
    %mul3A_254 = arith.constant 5.000000e-01 : f32
    %mul3A_255 = vector.broadcast %mul3A_254 : f32 to vector<64x32xf32>
    %mul3A_256 = arith.mulf %mul3A_255, %add3A_253 : vector<64x32xf32>
    %mul3A_257 = arith.constant 0.707106769 : f32
    %mul3A_258 = vector.broadcast %mul3A_257 : f32 to vector<64x32xf32>
    %mul3A_259 = arith.mulf %add3A_253, %mul3A_258 : vector<64x32xf32>
    %erf3A_260 = math.erf %mul3A_259 : vector<64x32xf32>
    %add3A_261 = arith.constant 1.000000e+00 : f32
    %add3A_262 = vector.broadcast %add3A_261 : f32 to vector<64x32xf32>
    %add3A_263 = arith.addf %add3A_262, %erf3A_260 : vector<64x32xf32>
    %mul3A_264 = arith.mulf %mul3A_256, %add3A_263 : vector<64x32xf32>
    %get3A_265 = arith.constant 0 : index
    %get3A_266 = arith.constant 0 : index
    %get3A_267 = vector.load %arg11[%get3A_265, %get3A_266] : memref<32x16xf32, #tpu.memory_space<vmem>>, vector<32x16xf32>
    %dot_general3A_268 = arith.constant dense<0.000000e+00> : vector<64x16xf32>
    %dot_general3A_269 = tpu.matmul %mul3A_264, %get3A_267, %dot_general3A_268 {dimension_numbers = #tpu.dot_dimension_numbers<[1], [0], [0], [1], [0, 0, 1, 1], [], []>, transpose_lhs_hint = false} : vector<64x32xf32>, vector<32x16xf32>, vector<64x16xf32> -> vector<64x16xf32>
    %add3A_270 = arith.addf %add3A_241, %dot_general3A_269 : vector<64x16xf32>
    %get3A_271 = arith.constant 0 : index
    %get3A_272 = arith.constant 0 : index
    %get3A_273 = vector.load %arg12[%get3A_271, %get3A_272] : memref<1x16xf32, #tpu.memory_space<vmem>>, vector<1x16xf32>
    %get3A_274 = vector.shape_cast %get3A_273 : vector<1x16xf32> to vector<16xf32>
    %broadcast_in_dim3A_275 = vector.shape_cast %get3A_274 : vector<16xf32> to vector<1x16xf32>
    %add3A_276 = vector.broadcast %broadcast_in_dim3A_275 : vector<1x16xf32> to vector<64x16xf32>
    %add3A_277 = arith.addf %add3A_270, %add3A_276 : vector<64x16xf32>
    %reduce_sum3A_278 = arith.constant dense<0.000000e+00> : vector<64xf32>
    %reduce_sum3A_279 = vector.multi_reduction <add>, %add3A_277, %reduce_sum3A_278 [1] : vector<64x16xf32> to vector<64xf32>
    %broadcast_in_dim3A_280 = vector.shape_cast %reduce_sum3A_279 : vector<64xf32> to vector<64x1xf32>
    %div3A_281 = arith.constant 1.600000e+01 : f32
    %div3A_282 = vector.broadcast %div3A_281 : f32 to vector<64x1xf32>
    %div3A_283 = arith.divf %broadcast_in_dim3A_280, %div3A_282 : vector<64x1xf32>
    %sub3A_284 = vector.broadcast %div3A_283 : vector<64x1xf32> to vector<64x16xf32>
    %sub3A_285 = arith.subf %add3A_277, %sub3A_284 : vector<64x16xf32>
    %mul3A_286 = arith.mulf %sub3A_285, %sub3A_285 : vector<64x16xf32>
    %reduce_sum3A_287 = arith.constant dense<0.000000e+00> : vector<64xf32>
    %reduce_sum3A_288 = vector.multi_reduction <add>, %mul3A_286, %reduce_sum3A_287 [1] : vector<64x16xf32> to vector<64xf32>
    %broadcast_in_dim3A_289 = vector.shape_cast %reduce_sum3A_288 : vector<64xf32> to vector<64x1xf32>
    %div3A_290 = arith.constant 1.600000e+01 : f32
    %div3A_291 = vector.broadcast %div3A_290 : f32 to vector<64x1xf32>
    %div3A_292 = arith.divf %broadcast_in_dim3A_289, %div3A_291 : vector<64x1xf32>
    %add3A_293 = arith.constant 9.99999974E-6 : f32
    %add3A_294 = vector.broadcast %add3A_293 : f32 to vector<64x1xf32>
    %add3A_295 = arith.addf %div3A_292, %add3A_294 : vector<64x1xf32>
    %rsqrt3A = math.rsqrt %add3A_295 : vector<64x1xf32>
    %mul3A_296 = vector.broadcast %rsqrt3A : vector<64x1xf32> to vector<64x16xf32>
    %mul3A_297 = arith.mulf %sub3A_285, %mul3A_296 : vector<64x16xf32>
    %get3A_298 = arith.constant 0 : index
    %get3A_299 = arith.constant 0 : index
    %get3A_300 = vector.load %arg13[%get3A_298, %get3A_299] : memref<1x16xf32, #tpu.memory_space<vmem>>, vector<1x16xf32>
    %get3A_301 = vector.shape_cast %get3A_300 : vector<1x16xf32> to vector<16xf32>
    %broadcast_in_dim3A_302 = vector.shape_cast %get3A_301 : vector<16xf32> to vector<1x16xf32>
    %mul3A_303 = vector.broadcast %broadcast_in_dim3A_302 : vector<1x16xf32> to vector<64x16xf32>
    %mul3A_304 = arith.mulf %mul3A_297, %mul3A_303 : vector<64x16xf32>
    %get3A_305 = arith.constant 0 : index
    %get3A_306 = arith.constant 0 : index
    %get3A_307 = vector.load %arg14[%get3A_305, %get3A_306] : memref<1x16xf32, #tpu.memory_space<vmem>>, vector<1x16xf32>
    %get3A_308 = vector.shape_cast %get3A_307 : vector<1x16xf32> to vector<16xf32>
    %broadcast_in_dim3A_309 = vector.shape_cast %get3A_308 : vector<16xf32> to vector<1x16xf32>
    %add3A_310 = vector.broadcast %broadcast_in_dim3A_309 : vector<1x16xf32> to vector<64x16xf32>
    %add3A_311 = arith.addf %mul3A_304, %add3A_310 : vector<64x16xf32>
    %swap3A = arith.constant 0 : index
    %swap3A_312 = arith.constant 0 : index
    %swap3A_313 = arith.constant 0 : index
    %swap3A_314 = vector.load %arg15[%swap3A, %swap3A_312, %swap3A_313] : memref<4x64x16xf32, #tpu.memory_space<vmem>>, vector<1x64x16xf32>
    %swap3A_315 = vector.shape_cast %swap3A_314 : vector<1x64x16xf32> to vector<64x16xf32>
    %swap3A_316 = vector.shape_cast %add3A_311 : vector<64x16xf32> to vector<1x64x16xf32>
    tpu.vector_store %arg15[%swap3A, %swap3A_312, %swap3A_313], %swap3A_316 {strides = array<i32>} : memref<4x64x16xf32, #tpu.memory_space<vmem>>, vector<1x64x16xf32>,
    %get3A_317 = arith.constant 1 : index
    %get3A_318 = arith.constant 0 : index
    %get3A_319 = arith.constant 0 : index
    %get3A_320 = vector.load %arg1[%get3A_317, %get3A_318, %get3A_319] : memref<4x64x16xf32, #tpu.memory_space<vmem>>, vector<1x64x16xf32>
    %get3A_321 = vector.shape_cast %get3A_320 : vector<1x64x16xf32> to vector<64x16xf32>
    %broadcast_in_dim3A_322 = arith.constant 0.000000e+00 : f32
    %broadcast_in_dim3A_323 = vector.broadcast %broadcast_in_dim3A_322 : f32 to vector<64x16xf32>
    %slice3A_324 = vector.extract_strided_slice %select_n3A_125 {offsets = [512, 0], sizes = [64, 512], strides = [1, 1]} : vector<2048x512xf32> to vector<64x512xf32>
    %get3A_325 = arith.constant 1 : index
    %get3A_326 = arith.constant 0 : index
    %get3A_327 = arith.constant 0 : index
    %get3A_328 = vector.load %arg3[%get3A_325, %get3A_326, %get3A_327] : memref<4x4096x16xf32, #tpu.memory_space<vmem>>, vector<1x512x16xf32>
    %get3A_329 = vector.shape_cast %get3A_328 : vector<1x512x16xf32> to vector<512x16xf32>
    %dot_general3A_330 = arith.constant dense<0.000000e+00> : vector<64x16xf32>
    %dot_general3A_331 = tpu.matmul %slice3A_324, %get3A_329, %dot_general3A_330 {dimension_numbers = #tpu.dot_dimension_numbers<[1], [0], [0], [1], [0, 0, 1, 1], [], []>, transpose_lhs_hint = false} : vector<64x512xf32>, vector<512x16xf32>, vector<64x16xf32> -> vector<64x16xf32>
    %add3A_332 = arith.addf %broadcast_in_dim3A_323, %dot_general3A_331 : vector<64x16xf32>
    %slice3A_333 = vector.extract_strided_slice %select_n3A_125 {offsets = [576, 0], sizes = [64, 512], strides = [1, 1]} : vector<2048x512xf32> to vector<64x512xf32>
    %get3A_334 = arith.constant 1 : index
    %get3A_335 = arith.constant 512 : index
    %get3A_336 = arith.constant 0 : index
    %get3A_337 = vector.load %arg3[%get3A_334, %get3A_335, %get3A_336] : memref<4x4096x16xf32, #tpu.memory_space<vmem>>, vector<1x512x16xf32>
    %get3A_338 = vector.shape_cast %get3A_337 : vector<1x512x16xf32> to vector<512x16xf32>
    %dot_general3A_339 = arith.constant dense<0.000000e+00> : vector<64x16xf32>
    %dot_general3A_340 = tpu.matmul %slice3A_333, %get3A_338, %dot_general3A_339 {dimension_numbers = #tpu.dot_dimension_numbers<[1], [0], [0], [1], [0, 0, 1, 1], [], []>, transpose_lhs_hint = false} : vector<64x512xf32>, vector<512x16xf32>, vector<64x16xf32> -> vector<64x16xf32>
    %add3A_341 = arith.addf %add3A_332, %dot_general3A_340 : vector<64x16xf32>
    %slice3A_342 = vector.extract_strided_slice %select_n3A_125 {offsets = [640, 0], sizes = [64, 512], strides = [1, 1]} : vector<2048x512xf32> to vector<64x512xf32>
    %get3A_343 = arith.constant 1 : index
    %get3A_344 = arith.constant 1024 : index
    %get3A_345 = arith.constant 0 : index
    %get3A_346 = vector.load %arg3[%get3A_343, %get3A_344, %get3A_345] : memref<4x4096x16xf32, #tpu.memory_space<vmem>>, vector<1x512x16xf32>
    %get3A_347 = vector.shape_cast %get3A_346 : vector<1x512x16xf32> to vector<512x16xf32>
    %dot_general3A_348 = arith.constant dense<0.000000e+00> : vector<64x16xf32>
    %dot_general3A_349 = tpu.matmul %slice3A_342, %get3A_347, %dot_general3A_348 {dimension_numbers = #tpu.dot_dimension_numbers<[1], [0], [0], [1], [0, 0, 1, 1], [], []>, transpose_lhs_hint = false} : vector<64x512xf32>, vector<512x16xf32>, vector<64x16xf32> -> vector<64x16xf32>
    %add3A_350 = arith.addf %add3A_341, %dot_general3A_349 : vector<64x16xf32>
    %slice3A_351 = vector.extract_strided_slice %select_n3A_125 {offsets = [704, 0], sizes = [64, 512], strides = [1, 1]} : vector<2048x512xf32> to vector<64x512xf32>
    %get3A_352 = arith.constant 1 : index
    %get3A_353 = arith.constant 1536 : index
    %get3A_354 = arith.constant 0 : index
    %get3A_355 = vector.load %arg3[%get3A_352, %get3A_353, %get3A_354] : memref<4x4096x16xf32, #tpu.memory_space<vmem>>, vector<1x512x16xf32>
    %get3A_356 = vector.shape_cast %get3A_355 : vector<1x512x16xf32> to vector<512x16xf32>
    %dot_general3A_357 = arith.constant dense<0.000000e+00> : vector<64x16xf32>
    %dot_general3A_358 = tpu.matmul %slice3A_351, %get3A_356, %dot_general3A_357 {dimension_numbers = #tpu.dot_dimension_numbers<[1], [0], [0], [1], [0, 0, 1, 1], [], []>, transpose_lhs_hint = false} : vector<64x512xf32>, vector<512x16xf32>, vector<64x16xf32> -> vector<64x16xf32>
    %add3A_359 = arith.addf %add3A_350, %dot_general3A_358 : vector<64x16xf32>
    %slice3A_360 = vector.extract_strided_slice %select_n3A_125 {offsets = [768, 0], sizes = [64, 512], strides = [1, 1]} : vector<2048x512xf32> to vector<64x512xf32>
    %get3A_361 = arith.constant 1 : index
    %get3A_362 = arith.constant 2048 : index
    %get3A_363 = arith.constant 0 : index
    %get3A_364 = vector.load %arg3[%get3A_361, %get3A_362, %get3A_363] : memref<4x4096x16xf32, #tpu.memory_space<vmem>>, vector<1x512x16xf32>
    %get3A_365 = vector.shape_cast %get3A_364 : vector<1x512x16xf32> to vector<512x16xf32>
    %dot_general3A_366 = arith.constant dense<0.000000e+00> : vector<64x16xf32>
    %dot_general3A_367 = tpu.matmul %slice3A_360, %get3A_365, %dot_general3A_366 {dimension_numbers = #tpu.dot_dimension_numbers<[1], [0], [0], [1], [0, 0, 1, 1], [], []>, transpose_lhs_hint = false} : vector<64x512xf32>, vector<512x16xf32>, vector<64x16xf32> -> vector<64x16xf32>
    %add3A_368 = arith.addf %add3A_359, %dot_general3A_367 : vector<64x16xf32>
    %slice3A_369 = vector.extract_strided_slice %select_n3A_125 {offsets = [832, 0], sizes = [64, 512], strides = [1, 1]} : vector<2048x512xf32> to vector<64x512xf32>
    %get3A_370 = arith.constant 1 : index
    %get3A_371 = arith.constant 2560 : index
    %get3A_372 = arith.constant 0 : index
    %get3A_373 = vector.load %arg3[%get3A_370, %get3A_371, %get3A_372] : memref<4x4096x16xf32, #tpu.memory_space<vmem>>, vector<1x512x16xf32>
    %get3A_374 = vector.shape_cast %get3A_373 : vector<1x512x16xf32> to vector<512x16xf32>
    %dot_general3A_375 = arith.constant dense<0.000000e+00> : vector<64x16xf32>
    %dot_general3A_376 = tpu.matmul %slice3A_369, %get3A_374, %dot_general3A_375 {dimension_numbers = #tpu.dot_dimension_numbers<[1], [0], [0], [1], [0, 0, 1, 1], [], []>, transpose_lhs_hint = false} : vector<64x512xf32>, vector<512x16xf32>, vector<64x16xf32> -> vector<64x16xf32>
    %add3A_377 = arith.addf %add3A_368, %dot_general3A_376 : vector<64x16xf32>
    %slice3A_378 = vector.extract_strided_slice %select_n3A_125 {offsets = [896, 0], sizes = [64, 512], strides = [1, 1]} : vector<2048x512xf32> to vector<64x512xf32>
    %get3A_379 = arith.constant 1 : index
    %get3A_380 = arith.constant 3072 : index
    %get3A_381 = arith.constant 0 : index
    %get3A_382 = vector.load %arg3[%get3A_379, %get3A_380, %get3A_381] : memref<4x4096x16xf32, #tpu.memory_space<vmem>>, vector<1x512x16xf32>
    %get3A_383 = vector.shape_cast %get3A_382 : vector<1x512x16xf32> to vector<512x16xf32>
    %dot_general3A_384 = arith.constant dense<0.000000e+00> : vector<64x16xf32>
    %dot_general3A_385 = tpu.matmul %slice3A_378, %get3A_383, %dot_general3A_384 {dimension_numbers = #tpu.dot_dimension_numbers<[1], [0], [0], [1], [0, 0, 1, 1], [], []>, transpose_lhs_hint = false} : vector<64x512xf32>, vector<512x16xf32>, vector<64x16xf32> -> vector<64x16xf32>
    %add3A_386 = arith.addf %add3A_377, %dot_general3A_385 : vector<64x16xf32>
    %slice3A_387 = vector.extract_strided_slice %select_n3A_125 {offsets = [960, 0], sizes = [64, 512], strides = [1, 1]} : vector<2048x512xf32> to vector<64x512xf32>
    %get3A_388 = arith.constant 1 : index
    %get3A_389 = arith.constant 3584 : index
    %get3A_390 = arith.constant 0 : index
    %get3A_391 = vector.load %arg3[%get3A_388, %get3A_389, %get3A_390] : memref<4x4096x16xf32, #tpu.memory_space<vmem>>, vector<1x512x16xf32>
    %get3A_392 = vector.shape_cast %get3A_391 : vector<1x512x16xf32> to vector<512x16xf32>
    %dot_general3A_393 = arith.constant dense<0.000000e+00> : vector<64x16xf32>
    %dot_general3A_394 = tpu.matmul %slice3A_387, %get3A_392, %dot_general3A_393 {dimension_numbers = #tpu.dot_dimension_numbers<[1], [0], [0], [1], [0, 0, 1, 1], [], []>, transpose_lhs_hint = false} : vector<64x512xf32>, vector<512x16xf32>, vector<64x16xf32> -> vector<64x16xf32>
    %add3A_395 = arith.addf %add3A_386, %dot_general3A_394 : vector<64x16xf32>
    %reduce_sum3A_396 = arith.constant dense<0.000000e+00> : vector<16xf32>
    %reduce_sum3A_397 = vector.multi_reduction <add>, %get3A_321, %reduce_sum3A_396 [0] : vector<64x16xf32> to vector<16xf32>
    %broadcast_in_dim3A_398 = vector.shape_cast %reduce_sum3A_397 : vector<16xf32> to vector<1x16xf32>
    %sub3A_399 = vector.broadcast %broadcast_in_dim3A_398 : vector<1x16xf32> to vector<64x16xf32>
    %sub3A_400 = arith.subf %sub3A_399, %get3A_321 : vector<64x16xf32>
    %get3A_401 = arith.constant 0 : index
    %get3A_402 = arith.constant 0 : index
    %get3A_403 = vector.load %arg6[%get3A_401, %get3A_402] : memref<16x16xf32, #tpu.memory_space<vmem>>, vector<16x16xf32>
    %dot_general3A_404 = arith.constant dense<0.000000e+00> : vector<64x16xf32>
    %dot_general3A_405 = tpu.matmul %sub3A_400, %get3A_403, %dot_general3A_404 {dimension_numbers = #tpu.dot_dimension_numbers<[1], [0], [0], [1], [0, 0, 1, 1], [], []>, transpose_lhs_hint = false} : vector<64x16xf32>, vector<16x16xf32>, vector<64x16xf32> -> vector<64x16xf32>
    %add3A_406 = arith.addf %add3A_395, %dot_general3A_405 : vector<64x16xf32>
    %mul3A_407 = arith.constant 0.0158730168 : f32
    %mul3A_408 = vector.broadcast %mul3A_407 : f32 to vector<64x16xf32>
    %mul3A_409 = arith.mulf %add3A_406, %mul3A_408 : vector<64x16xf32>
    %get3A_410 = arith.constant 0 : index
    %get3A_411 = arith.constant 0 : index
    %get3A_412 = vector.load %arg7[%get3A_410, %get3A_411] : memref<16x16xf32, #tpu.memory_space<vmem>>, vector<16x16xf32>
    %dot_general3A_413 = arith.constant dense<0.000000e+00> : vector<64x16xf32>
    %dot_general3A_414 = tpu.matmul %get3A_321, %get3A_412, %dot_general3A_413 {dimension_numbers = #tpu.dot_dimension_numbers<[1], [0], [0], [1], [0, 0, 1, 1], [], []>, transpose_lhs_hint = false} : vector<64x16xf32>, vector<16x16xf32>, vector<64x16xf32> -> vector<64x16xf32>
    %add3A_415 = arith.addf %mul3A_409, %dot_general3A_414 : vector<64x16xf32>
    %get3A_416 = arith.constant 0 : index
    %get3A_417 = arith.constant 0 : index
    %get3A_418 = vector.load %arg8[%get3A_416, %get3A_417] : memref<1x16xf32, #tpu.memory_space<vmem>>, vector<1x16xf32>
    %get3A_419 = vector.shape_cast %get3A_418 : vector<1x16xf32> to vector<16xf32>
    %broadcast_in_dim3A_420 = vector.shape_cast %get3A_419 : vector<16xf32> to vector<1x16xf32>
    %add3A_421 = vector.broadcast %broadcast_in_dim3A_420 : vector<1x16xf32> to vector<64x16xf32>
    %add3A_422 = arith.addf %add3A_415, %add3A_421 : vector<64x16xf32>
    %mul3A_423 = arith.constant 5.000000e-01 : f32
    %mul3A_424 = vector.broadcast %mul3A_423 : f32 to vector<64x16xf32>
    %mul3A_425 = arith.mulf %mul3A_424, %add3A_422 : vector<64x16xf32>
    %mul3A_426 = arith.constant 0.707106769 : f32
    %mul3A_427 = vector.broadcast %mul3A_426 : f32 to vector<64x16xf32>
    %mul3A_428 = arith.mulf %add3A_422, %mul3A_427 : vector<64x16xf32>
    %erf3A_429 = math.erf %mul3A_428 : vector<64x16xf32>
    %add3A_430 = arith.constant 1.000000e+00 : f32
    %add3A_431 = vector.broadcast %add3A_430 : f32 to vector<64x16xf32>
    %add3A_432 = arith.addf %add3A_431, %erf3A_429 : vector<64x16xf32>
    %mul3A_433 = arith.mulf %mul3A_425, %add3A_432 : vector<64x16xf32>
    %add3A_434 = arith.addf %get3A_321, %mul3A_433 : vector<64x16xf32>
    %get3A_435 = arith.constant 0 : index
    %get3A_436 = arith.constant 0 : index
    %get3A_437 = vector.load %arg9[%get3A_435, %get3A_436] : memref<16x32xf32, #tpu.memory_space<vmem>>, vector<16x32xf32>
    %dot_general3A_438 = arith.constant dense<0.000000e+00> : vector<64x32xf32>
    %dot_general3A_439 = tpu.matmul %add3A_434, %get3A_437, %dot_general3A_438 {dimension_numbers = #tpu.dot_dimension_numbers<[1], [0], [0], [1], [0, 0, 1, 1], [], []>, transpose_lhs_hint = false} : vector<64x16xf32>, vector<16x32xf32>, vector<64x32xf32> -> vector<64x32xf32>
    %get3A_440 = arith.constant 0 : index
    %get3A_441 = arith.constant 0 : index
    %get3A_442 = vector.load %arg10[%get3A_440, %get3A_441] : memref<1x32xf32, #tpu.memory_space<vmem>>, vector<1x32xf32>
    %get3A_443 = vector.shape_cast %get3A_442 : vector<1x32xf32> to vector<32xf32>
    %broadcast_in_dim3A_444 = vector.shape_cast %get3A_443 : vector<32xf32> to vector<1x32xf32>
    %add3A_445 = vector.broadcast %broadcast_in_dim3A_444 : vector<1x32xf32> to vector<64x32xf32>
    %add3A_446 = arith.addf %dot_general3A_439, %add3A_445 : vector<64x32xf32>
    %mul3A_447 = arith.constant 5.000000e-01 : f32
    %mul3A_448 = vector.broadcast %mul3A_447 : f32 to vector<64x32xf32>
    %mul3A_449 = arith.mulf %mul3A_448, %add3A_446 : vector<64x32xf32>
    %mul3A_450 = arith.constant 0.707106769 : f32
    %mul3A_451 = vector.broadcast %mul3A_450 : f32 to vector<64x32xf32>
    %mul3A_452 = arith.mulf %add3A_446, %mul3A_451 : vector<64x32xf32>
    %erf3A_453 = math.erf %mul3A_452 : vector<64x32xf32>
    %add3A_454 = arith.constant 1.000000e+00 : f32
    %add3A_455 = vector.broadcast %add3A_454 : f32 to vector<64x32xf32>
    %add3A_456 = arith.addf %add3A_455, %erf3A_453 : vector<64x32xf32>
    %mul3A_457 = arith.mulf %mul3A_449, %add3A_456 : vector<64x32xf32>
    %get3A_458 = arith.constant 0 : index
    %get3A_459 = arith.constant 0 : index
    %get3A_460 = vector.load %arg11[%get3A_458, %get3A_459] : memref<32x16xf32, #tpu.memory_space<vmem>>, vector<32x16xf32>
    %dot_general3A_461 = arith.constant dense<0.000000e+00> : vector<64x16xf32>
    %dot_general3A_462 = tpu.matmul %mul3A_457, %get3A_460, %dot_general3A_461 {dimension_numbers = #tpu.dot_dimension_numbers<[1], [0], [0], [1], [0, 0, 1, 1], [], []>, transpose_lhs_hint = false} : vector<64x32xf32>, vector<32x16xf32>, vector<64x16xf32> -> vector<64x16xf32>
    %add3A_463 = arith.addf %add3A_434, %dot_general3A_462 : vector<64x16xf32>
    %get3A_464 = arith.constant 0 : index
    %get3A_465 = arith.constant 0 : index
    %get3A_466 = vector.load %arg12[%get3A_464, %get3A_465] : memref<1x16xf32, #tpu.memory_space<vmem>>, vector<1x16xf32>
    %get3A_467 = vector.shape_cast %get3A_466 : vector<1x16xf32> to vector<16xf32>
    %broadcast_in_dim3A_468 = vector.shape_cast %get3A_467 : vector<16xf32> to vector<1x16xf32>
    %add3A_469 = vector.broadcast %broadcast_in_dim3A_468 : vector<1x16xf32> to vector<64x16xf32>
    %add3A_470 = arith.addf %add3A_463, %add3A_469 : vector<64x16xf32>
    %reduce_sum3A_471 = arith.constant dense<0.000000e+00> : vector<64xf32>
    %reduce_sum3A_472 = vector.multi_reduction <add>, %add3A_470, %reduce_sum3A_471 [1] : vector<64x16xf32> to vector<64xf32>
    %broadcast_in_dim3A_473 = vector.shape_cast %reduce_sum3A_472 : vector<64xf32> to vector<64x1xf32>
    %div3A_474 = arith.constant 1.600000e+01 : f32
    %div3A_475 = vector.broadcast %div3A_474 : f32 to vector<64x1xf32>
    %div3A_476 = arith.divf %broadcast_in_dim3A_473, %div3A_475 : vector<64x1xf32>
    %sub3A_477 = vector.broadcast %div3A_476 : vector<64x1xf32> to vector<64x16xf32>
    %sub3A_478 = arith.subf %add3A_470, %sub3A_477 : vector<64x16xf32>
    %mul3A_479 = arith.mulf %sub3A_478, %sub3A_478 : vector<64x16xf32>
    %reduce_sum3A_480 = arith.constant dense<0.000000e+00> : vector<64xf32>
    %reduce_sum3A_481 = vector.multi_reduction <add>, %mul3A_479, %reduce_sum3A_480 [1] : vector<64x16xf32> to vector<64xf32>
    %broadcast_in_dim3A_482 = vector.shape_cast %reduce_sum3A_481 : vector<64xf32> to vector<64x1xf32>
    %div3A_483 = arith.constant 1.600000e+01 : f32
    %div3A_484 = vector.broadcast %div3A_483 : f32 to vector<64x1xf32>
    %div3A_485 = arith.divf %broadcast_in_dim3A_482, %div3A_484 : vector<64x1xf32>
    %add3A_486 = arith.constant 9.99999974E-6 : f32
    %add3A_487 = vector.broadcast %add3A_486 : f32 to vector<64x1xf32>
    %add3A_488 = arith.addf %div3A_485, %add3A_487 : vector<64x1xf32>
    %rsqrt3A_489 = math.rsqrt %add3A_488 : vector<64x1xf32>
    %mul3A_490 = vector.broadcast %rsqrt3A_489 : vector<64x1xf32> to vector<64x16xf32>
    %mul3A_491 = arith.mulf %sub3A_478, %mul3A_490 : vector<64x16xf32>
    %get3A_492 = arith.constant 0 : index
    %get3A_493 = arith.constant 0 : index
    %get3A_494 = vector.load %arg13[%get3A_492, %get3A_493] : memref<1x16xf32, #tpu.memory_space<vmem>>, vector<1x16xf32>
    %get3A_495 = vector.shape_cast %get3A_494 : vector<1x16xf32> to vector<16xf32>
    %broadcast_in_dim3A_496 = vector.shape_cast %get3A_495 : vector<16xf32> to vector<1x16xf32>
    %mul3A_497 = vector.broadcast %broadcast_in_dim3A_496 : vector<1x16xf32> to vector<64x16xf32>
    %mul3A_498 = arith.mulf %mul3A_491, %mul3A_497 : vector<64x16xf32>
    %get3A_499 = arith.constant 0 : index
    %get3A_500 = arith.constant 0 : index
    %get3A_501 = vector.load %arg14[%get3A_499, %get3A_500] : memref<1x16xf32, #tpu.memory_space<vmem>>, vector<1x16xf32>
    %get3A_502 = vector.shape_cast %get3A_501 : vector<1x16xf32> to vector<16xf32>
    %broadcast_in_dim3A_503 = vector.shape_cast %get3A_502 : vector<16xf32> to vector<1x16xf32>
    %add3A_504 = vector.broadcast %broadcast_in_dim3A_503 : vector<1x16xf32> to vector<64x16xf32>
    %add3A_505 = arith.addf %mul3A_498, %add3A_504 : vector<64x16xf32>
    %swap3A_506 = arith.constant 1 : index
    %swap3A_507 = arith.constant 0 : index
    %swap3A_508 = arith.constant 0 : index
    %swap3A_509 = vector.load %arg15[%swap3A_506, %swap3A_507, %swap3A_508] : memref<4x64x16xf32, #tpu.memory_space<vmem>>, vector<1x64x16xf32>
    %swap3A_510 = vector.shape_cast %swap3A_509 : vector<1x64x16xf32> to vector<64x16xf32>
    %swap3A_511 = vector.shape_cast %add3A_505 : vector<64x16xf32> to vector<1x64x16xf32>
    tpu.vector_store %arg15[%swap3A_506, %swap3A_507, %swap3A_508], %swap3A_511 {strides = array<i32>} : memref<4x64x16xf32, #tpu.memory_space<vmem>>, vector<1x64x16xf32>,
    %get3A_512 = arith.constant 2 : index
    %get3A_513 = arith.constant 0 : index
    %get3A_514 = arith.constant 0 : index
    %get3A_515 = vector.load %arg1[%get3A_512, %get3A_513, %get3A_514] : memref<4x64x16xf32, #tpu.memory_space<vmem>>, vector<1x64x16xf32>
    %get3A_516 = vector.shape_cast %get3A_515 : vector<1x64x16xf32> to vector<64x16xf32>
    %broadcast_in_dim3A_517 = arith.constant 0.000000e+00 : f32
    %broadcast_in_dim3A_518 = vector.broadcast %broadcast_in_dim3A_517 : f32 to vector<64x16xf32>
    %slice3A_519 = vector.extract_strided_slice %select_n3A_125 {offsets = [1024, 0], sizes = [64, 512], strides = [1, 1]} : vector<2048x512xf32> to vector<64x512xf32>
    %get3A_520 = arith.constant 2 : index
    %get3A_521 = arith.constant 0 : index
    %get3A_522 = arith.constant 0 : index
    %get3A_523 = vector.load %arg3[%get3A_520, %get3A_521, %get3A_522] : memref<4x4096x16xf32, #tpu.memory_space<vmem>>, vector<1x512x16xf32>
    %get3A_524 = vector.shape_cast %get3A_523 : vector<1x512x16xf32> to vector<512x16xf32>
    %dot_general3A_525 = arith.constant dense<0.000000e+00> : vector<64x16xf32>
    %dot_general3A_526 = tpu.matmul %slice3A_519, %get3A_524, %dot_general3A_525 {dimension_numbers = #tpu.dot_dimension_numbers<[1], [0], [0], [1], [0, 0, 1, 1], [], []>, transpose_lhs_hint = false} : vector<64x512xf32>, vector<512x16xf32>, vector<64x16xf32> -> vector<64x16xf32>
    %add3A_527 = arith.addf %broadcast_in_dim3A_518, %dot_general3A_526 : vector<64x16xf32>
    %slice3A_528 = vector.extract_strided_slice %select_n3A_125 {offsets = [1088, 0], sizes = [64, 512], strides = [1, 1]} : vector<2048x512xf32> to vector<64x512xf32>
    %get3A_529 = arith.constant 2 : index
    %get3A_530 = arith.constant 512 : index
    %get3A_531 = arith.constant 0 : index
    %get3A_532 = vector.load %arg3[%get3A_529, %get3A_530, %get3A_531] : memref<4x4096x16xf32, #tpu.memory_space<vmem>>, vector<1x512x16xf32>
    %get3A_533 = vector.shape_cast %get3A_532 : vector<1x512x16xf32> to vector<512x16xf32>
    %dot_general3A_534 = arith.constant dense<0.000000e+00> : vector<64x16xf32>
    %dot_general3A_535 = tpu.matmul %slice3A_528, %get3A_533, %dot_general3A_534 {dimension_numbers = #tpu.dot_dimension_numbers<[1], [0], [0], [1], [0, 0, 1, 1], [], []>, transpose_lhs_hint = false} : vector<64x512xf32>, vector<512x16xf32>, vector<64x16xf32> -> vector<64x16xf32>
    %add3A_536 = arith.addf %add3A_527, %dot_general3A_535 : vector<64x16xf32>
    %slice3A_537 = vector.extract_strided_slice %select_n3A_125 {offsets = [1152, 0], sizes = [64, 512], strides = [1, 1]} : vector<2048x512xf32> to vector<64x512xf32>
    %get3A_538 = arith.constant 2 : index
    %get3A_539 = arith.constant 1024 : index
    %get3A_540 = arith.constant 0 : index
    %get3A_541 = vector.load %arg3[%get3A_538, %get3A_539, %get3A_540] : memref<4x4096x16xf32, #tpu.memory_space<vmem>>, vector<1x512x16xf32>
    %get3A_542 = vector.shape_cast %get3A_541 : vector<1x512x16xf32> to vector<512x16xf32>
    %dot_general3A_543 = arith.constant dense<0.000000e+00> : vector<64x16xf32>
    %dot_general3A_544 = tpu.matmul %slice3A_537, %get3A_542, %dot_general3A_543 {dimension_numbers = #tpu.dot_dimension_numbers<[1], [0], [0], [1], [0, 0, 1, 1], [], []>, transpose_lhs_hint = false} : vector<64x512xf32>, vector<512x16xf32>, vector<64x16xf32> -> vector<64x16xf32>
    %add3A_545 = arith.addf %add3A_536, %dot_general3A_544 : vector<64x16xf32>
    %slice3A_546 = vector.extract_strided_slice %select_n3A_125 {offsets = [1216, 0], sizes = [64, 512], strides = [1, 1]} : vector<2048x512xf32> to vector<64x512xf32>
    %get3A_547 = arith.constant 2 : index
    %get3A_548 = arith.constant 1536 : index
    %get3A_549 = arith.constant 0 : index
    %get3A_550 = vector.load %arg3[%get3A_547, %get3A_548, %get3A_549] : memref<4x4096x16xf32, #tpu.memory_space<vmem>>, vector<1x512x16xf32>
    %get3A_551 = vector.shape_cast %get3A_550 : vector<1x512x16xf32> to vector<512x16xf32>
    %dot_general3A_552 = arith.constant dense<0.000000e+00> : vector<64x16xf32>
    %dot_general3A_553 = tpu.matmul %slice3A_546, %get3A_551, %dot_general3A_552 {dimension_numbers = #tpu.dot_dimension_numbers<[1], [0], [0], [1], [0, 0, 1, 1], [], []>, transpose_lhs_hint = false} : vector<64x512xf32>, vector<512x16xf32>, vector<64x16xf32> -> vector<64x16xf32>
    %add3A_554 = arith.addf %add3A_545, %dot_general3A_553 : vector<64x16xf32>
    %slice3A_555 = vector.extract_strided_slice %select_n3A_125 {offsets = [1280, 0], sizes = [64, 512], strides = [1, 1]} : vector<2048x512xf32> to vector<64x512xf32>
    %get3A_556 = arith.constant 2 : index
    %get3A_557 = arith.constant 2048 : index
    %get3A_558 = arith.constant 0 : index
    %get3A_559 = vector.load %arg3[%get3A_556, %get3A_557, %get3A_558] : memref<4x4096x16xf32, #tpu.memory_space<vmem>>, vector<1x512x16xf32>
    %get3A_560 = vector.shape_cast %get3A_559 : vector<1x512x16xf32> to vector<512x16xf32>
    %dot_general3A_561 = arith.constant dense<0.000000e+00> : vector<64x16xf32>
    %dot_general3A_562 = tpu.matmul %slice3A_555, %get3A_560, %dot_general3A_561 {dimension_numbers = #tpu.dot_dimension_numbers<[1], [0], [0], [1], [0, 0, 1, 1], [], []>, transpose_lhs_hint = false} : vector<64x512xf32>, vector<512x16xf32>, vector<64x16xf32> -> vector<64x16xf32>
    %add3A_563 = arith.addf %add3A_554, %dot_general3A_562 : vector<64x16xf32>
    %slice3A_564 = vector.extract_strided_slice %select_n3A_125 {offsets = [1344, 0], sizes = [64, 512], strides = [1, 1]} : vector<2048x512xf32> to vector<64x512xf32>
    %get3A_565 = arith.constant 2 : index
    %get3A_566 = arith.constant 2560 : index
    %get3A_567 = arith.constant 0 : index
    %get3A_568 = vector.load %arg3[%get3A_565, %get3A_566, %get3A_567] : memref<4x4096x16xf32, #tpu.memory_space<vmem>>, vector<1x512x16xf32>
    %get3A_569 = vector.shape_cast %get3A_568 : vector<1x512x16xf32> to vector<512x16xf32>
    %dot_general3A_570 = arith.constant dense<0.000000e+00> : vector<64x16xf32>
    %dot_general3A_571 = tpu.matmul %slice3A_564, %get3A_569, %dot_general3A_570 {dimension_numbers = #tpu.dot_dimension_numbers<[1], [0], [0], [1], [0, 0, 1, 1], [], []>, transpose_lhs_hint = false} : vector<64x512xf32>, vector<512x16xf32>, vector<64x16xf32> -> vector<64x16xf32>
    %add3A_572 = arith.addf %add3A_563, %dot_general3A_571 : vector<64x16xf32>
    %slice3A_573 = vector.extract_strided_slice %select_n3A_125 {offsets = [1408, 0], sizes = [64, 512], strides = [1, 1]} : vector<2048x512xf32> to vector<64x512xf32>
    %get3A_574 = arith.constant 2 : index
    %get3A_575 = arith.constant 3072 : index
    %get3A_576 = arith.constant 0 : index
    %get3A_577 = vector.load %arg3[%get3A_574, %get3A_575, %get3A_576] : memref<4x4096x16xf32, #tpu.memory_space<vmem>>, vector<1x512x16xf32>
    %get3A_578 = vector.shape_cast %get3A_577 : vector<1x512x16xf32> to vector<512x16xf32>
    %dot_general3A_579 = arith.constant dense<0.000000e+00> : vector<64x16xf32>
    %dot_general3A_580 = tpu.matmul %slice3A_573, %get3A_578, %dot_general3A_579 {dimension_numbers = #tpu.dot_dimension_numbers<[1], [0], [0], [1], [0, 0, 1, 1], [], []>, transpose_lhs_hint = false} : vector<64x512xf32>, vector<512x16xf32>, vector<64x16xf32> -> vector<64x16xf32>
    %add3A_581 = arith.addf %add3A_572, %dot_general3A_580 : vector<64x16xf32>
    %slice3A_582 = vector.extract_strided_slice %select_n3A_125 {offsets = [1472, 0], sizes = [64, 512], strides = [1, 1]} : vector<2048x512xf32> to vector<64x512xf32>
    %get3A_583 = arith.constant 2 : index
    %get3A_584 = arith.constant 3584 : index
    %get3A_585 = arith.constant 0 : index
    %get3A_586 = vector.load %arg3[%get3A_583, %get3A_584, %get3A_585] : memref<4x4096x16xf32, #tpu.memory_space<vmem>>, vector<1x512x16xf32>
    %get3A_587 = vector.shape_cast %get3A_586 : vector<1x512x16xf32> to vector<512x16xf32>
    %dot_general3A_588 = arith.constant dense<0.000000e+00> : vector<64x16xf32>
    %dot_general3A_589 = tpu.matmul %slice3A_582, %get3A_587, %dot_general3A_588 {dimension_numbers = #tpu.dot_dimension_numbers<[1], [0], [0], [1], [0, 0, 1, 1], [], []>, transpose_lhs_hint = false} : vector<64x512xf32>, vector<512x16xf32>, vector<64x16xf32> -> vector<64x16xf32>
    %add3A_590 = arith.addf %add3A_581, %dot_general3A_589 : vector<64x16xf32>
    %reduce_sum3A_591 = arith.constant dense<0.000000e+00> : vector<16xf32>
    %reduce_sum3A_592 = vector.multi_reduction <add>, %get3A_516, %reduce_sum3A_591 [0] : vector<64x16xf32> to vector<16xf32>
    %broadcast_in_dim3A_593 = vector.shape_cast %reduce_sum3A_592 : vector<16xf32> to vector<1x16xf32>
    %sub3A_594 = vector.broadcast %broadcast_in_dim3A_593 : vector<1x16xf32> to vector<64x16xf32>
    %sub3A_595 = arith.subf %sub3A_594, %get3A_516 : vector<64x16xf32>
    %get3A_596 = arith.constant 0 : index
    %get3A_597 = arith.constant 0 : index
    %get3A_598 = vector.load %arg6[%get3A_596, %get3A_597] : memref<16x16xf32, #tpu.memory_space<vmem>>, vector<16x16xf32>
    %dot_general3A_599 = arith.constant dense<0.000000e+00> : vector<64x16xf32>
    %dot_general3A_600 = tpu.matmul %sub3A_595, %get3A_598, %dot_general3A_599 {dimension_numbers = #tpu.dot_dimension_numbers<[1], [0], [0], [1], [0, 0, 1, 1], [], []>, transpose_lhs_hint = false} : vector<64x16xf32>, vector<16x16xf32>, vector<64x16xf32> -> vector<64x16xf32>
    %add3A_601 = arith.addf %add3A_590, %dot_general3A_600 : vector<64x16xf32>
    %mul3A_602 = arith.constant 0.0158730168 : f32
    %mul3A_603 = vector.broadcast %mul3A_602 : f32 to vector<64x16xf32>
    %mul3A_604 = arith.mulf %add3A_601, %mul3A_603 : vector<64x16xf32>
    %get3A_605 = arith.constant 0 : index
    %get3A_606 = arith.constant 0 : index
    %get3A_607 = vector.load %arg7[%get3A_605, %get3A_606] : memref<16x16xf32, #tpu.memory_space<vmem>>, vector<16x16xf32>
    %dot_general3A_608 = arith.constant dense<0.000000e+00> : vector<64x16xf32>
    %dot_general3A_609 = tpu.matmul %get3A_516, %get3A_607, %dot_general3A_608 {dimension_numbers = #tpu.dot_dimension_numbers<[1], [0], [0], [1], [0, 0, 1, 1], [], []>, transpose_lhs_hint = false} : vector<64x16xf32>, vector<16x16xf32>, vector<64x16xf32> -> vector<64x16xf32>
    %add3A_610 = arith.addf %mul3A_604, %dot_general3A_609 : vector<64x16xf32>
    %get3A_611 = arith.constant 0 : index
    %get3A_612 = arith.constant 0 : index
    %get3A_613 = vector.load %arg8[%get3A_611, %get3A_612] : memref<1x16xf32, #tpu.memory_space<vmem>>, vector<1x16xf32>
    %get3A_614 = vector.shape_cast %get3A_613 : vector<1x16xf32> to vector<16xf32>
    %broadcast_in_dim3A_615 = vector.shape_cast %get3A_614 : vector<16xf32> to vector<1x16xf32>
    %add3A_616 = vector.broadcast %broadcast_in_dim3A_615 : vector<1x16xf32> to vector<64x16xf32>
    %add3A_617 = arith.addf %add3A_610, %add3A_616 : vector<64x16xf32>
    %mul3A_618 = arith.constant 5.000000e-01 : f32
    %mul3A_619 = vector.broadcast %mul3A_618 : f32 to vector<64x16xf32>
    %mul3A_620 = arith.mulf %mul3A_619, %add3A_617 : vector<64x16xf32>
    %mul3A_621 = arith.constant 0.707106769 : f32
    %mul3A_622 = vector.broadcast %mul3A_621 : f32 to vector<64x16xf32>
    %mul3A_623 = arith.mulf %add3A_617, %mul3A_622 : vector<64x16xf32>
    %erf3A_624 = math.erf %mul3A_623 : vector<64x16xf32>
    %add3A_625 = arith.constant 1.000000e+00 : f32
    %add3A_626 = vector.broadcast %add3A_625 : f32 to vector<64x16xf32>
    %add3A_627 = arith.addf %add3A_626, %erf3A_624 : vector<64x16xf32>
    %mul3A_628 = arith.mulf %mul3A_620, %add3A_627 : vector<64x16xf32>
    %add3A_629 = arith.addf %get3A_516, %mul3A_628 : vector<64x16xf32>
    %get3A_630 = arith.constant 0 : index
    %get3A_631 = arith.constant 0 : index
    %get3A_632 = vector.load %arg9[%get3A_630, %get3A_631] : memref<16x32xf32, #tpu.memory_space<vmem>>, vector<16x32xf32>
    %dot_general3A_633 = arith.constant dense<0.000000e+00> : vector<64x32xf32>
    %dot_general3A_634 = tpu.matmul %add3A_629, %get3A_632, %dot_general3A_633 {dimension_numbers = #tpu.dot_dimension_numbers<[1], [0], [0], [1], [0, 0, 1, 1], [], []>, transpose_lhs_hint = false} : vector<64x16xf32>, vector<16x32xf32>, vector<64x32xf32> -> vector<64x32xf32>
    %get3A_635 = arith.constant 0 : index
    %get3A_636 = arith.constant 0 : index
    %get3A_637 = vector.load %arg10[%get3A_635, %get3A_636] : memref<1x32xf32, #tpu.memory_space<vmem>>, vector<1x32xf32>
    %get3A_638 = vector.shape_cast %get3A_637 : vector<1x32xf32> to vector<32xf32>
    %broadcast_in_dim3A_639 = vector.shape_cast %get3A_638 : vector<32xf32> to vector<1x32xf32>
    %add3A_640 = vector.broadcast %broadcast_in_dim3A_639 : vector<1x32xf32> to vector<64x32xf32>
    %add3A_641 = arith.addf %dot_general3A_634, %add3A_640 : vector<64x32xf32>
    %mul3A_642 = arith.constant 5.000000e-01 : f32
    %mul3A_643 = vector.broadcast %mul3A_642 : f32 to vector<64x32xf32>
    %mul3A_644 = arith.mulf %mul3A_643, %add3A_641 : vector<64x32xf32>
    %mul3A_645 = arith.constant 0.707106769 : f32
    %mul3A_646 = vector.broadcast %mul3A_645 : f32 to vector<64x32xf32>
    %mul3A_647 = arith.mulf %add3A_641, %mul3A_646 : vector<64x32xf32>
    %erf3A_648 = math.erf %mul3A_647 : vector<64x32xf32>
    %add3A_649 = arith.constant 1.000000e+00 : f32
    %add3A_650 = vector.broadcast %add3A_649 : f32 to vector<64x32xf32>
    %add3A_651 = arith.addf %add3A_650, %erf3A_648 : vector<64x32xf32>
    %mul3A_652 = arith.mulf %mul3A_644, %add3A_651 : vector<64x32xf32>
    %get3A_653 = arith.constant 0 : index
    %get3A_654 = arith.constant 0 : index
    %get3A_655 = vector.load %arg11[%get3A_653, %get3A_654] : memref<32x16xf32, #tpu.memory_space<vmem>>, vector<32x16xf32>
    %dot_general3A_656 = arith.constant dense<0.000000e+00> : vector<64x16xf32>
    %dot_general3A_657 = tpu.matmul %mul3A_652, %get3A_655, %dot_general3A_656 {dimension_numbers = #tpu.dot_dimension_numbers<[1], [0], [0], [1], [0, 0, 1, 1], [], []>, transpose_lhs_hint = false} : vector<64x32xf32>, vector<32x16xf32>, vector<64x16xf32> -> vector<64x16xf32>
    %add3A_658 = arith.addf %add3A_629, %dot_general3A_657 : vector<64x16xf32>
    %get3A_659 = arith.constant 0 : index
    %get3A_660 = arith.constant 0 : index
    %get3A_661 = vector.load %arg12[%get3A_659, %get3A_660] : memref<1x16xf32, #tpu.memory_space<vmem>>, vector<1x16xf32>
    %get3A_662 = vector.shape_cast %get3A_661 : vector<1x16xf32> to vector<16xf32>
    %broadcast_in_dim3A_663 = vector.shape_cast %get3A_662 : vector<16xf32> to vector<1x16xf32>
    %add3A_664 = vector.broadcast %broadcast_in_dim3A_663 : vector<1x16xf32> to vector<64x16xf32>
    %add3A_665 = arith.addf %add3A_658, %add3A_664 : vector<64x16xf32>
    %reduce_sum3A_666 = arith.constant dense<0.000000e+00> : vector<64xf32>
    %reduce_sum3A_667 = vector.multi_reduction <add>, %add3A_665, %reduce_sum3A_666 [1] : vector<64x16xf32> to vector<64xf32>
    %broadcast_in_dim3A_668 = vector.shape_cast %reduce_sum3A_667 : vector<64xf32> to vector<64x1xf32>
    %div3A_669 = arith.constant 1.600000e+01 : f32
    %div3A_670 = vector.broadcast %div3A_669 : f32 to vector<64x1xf32>
    %div3A_671 = arith.divf %broadcast_in_dim3A_668, %div3A_670 : vector<64x1xf32>
    %sub3A_672 = vector.broadcast %div3A_671 : vector<64x1xf32> to vector<64x16xf32>
    %sub3A_673 = arith.subf %add3A_665, %sub3A_672 : vector<64x16xf32>
    %mul3A_674 = arith.mulf %sub3A_673, %sub3A_673 : vector<64x16xf32>
    %reduce_sum3A_675 = arith.constant dense<0.000000e+00> : vector<64xf32>
    %reduce_sum3A_676 = vector.multi_reduction <add>, %mul3A_674, %reduce_sum3A_675 [1] : vector<64x16xf32> to vector<64xf32>
    %broadcast_in_dim3A_677 = vector.shape_cast %reduce_sum3A_676 : vector<64xf32> to vector<64x1xf32>
    %div3A_678 = arith.constant 1.600000e+01 : f32
    %div3A_679 = vector.broadcast %div3A_678 : f32 to vector<64x1xf32>
    %div3A_680 = arith.divf %broadcast_in_dim3A_677, %div3A_679 : vector<64x1xf32>
    %add3A_681 = arith.constant 9.99999974E-6 : f32
    %add3A_682 = vector.broadcast %add3A_681 : f32 to vector<64x1xf32>
    %add3A_683 = arith.addf %div3A_680, %add3A_682 : vector<64x1xf32>
    %rsqrt3A_684 = math.rsqrt %add3A_683 : vector<64x1xf32>
    %mul3A_685 = vector.broadcast %rsqrt3A_684 : vector<64x1xf32> to vector<64x16xf32>
    %mul3A_686 = arith.mulf %sub3A_673, %mul3A_685 : vector<64x16xf32>
    %get3A_687 = arith.constant 0 : index
    %get3A_688 = arith.constant 0 : index
    %get3A_689 = vector.load %arg13[%get3A_687, %get3A_688] : memref<1x16xf32, #tpu.memory_space<vmem>>, vector<1x16xf32>
    %get3A_690 = vector.shape_cast %get3A_689 : vector<1x16xf32> to vector<16xf32>
    %broadcast_in_dim3A_691 = vector.shape_cast %get3A_690 : vector<16xf32> to vector<1x16xf32>
    %mul3A_692 = vector.broadcast %broadcast_in_dim3A_691 : vector<1x16xf32> to vector<64x16xf32>
    %mul3A_693 = arith.mulf %mul3A_686, %mul3A_692 : vector<64x16xf32>
    %get3A_694 = arith.constant 0 : index
    %get3A_695 = arith.constant 0 : index
    %get3A_696 = vector.load %arg14[%get3A_694, %get3A_695] : memref<1x16xf32, #tpu.memory_space<vmem>>, vector<1x16xf32>
    %get3A_697 = vector.shape_cast %get3A_696 : vector<1x16xf32> to vector<16xf32>
    %broadcast_in_dim3A_698 = vector.shape_cast %get3A_697 : vector<16xf32> to vector<1x16xf32>
    %add3A_699 = vector.broadcast %broadcast_in_dim3A_698 : vector<1x16xf32> to vector<64x16xf32>
    %add3A_700 = arith.addf %mul3A_693, %add3A_699 : vector<64x16xf32>
    %swap3A_701 = arith.constant 2 : index
    %swap3A_702 = arith.constant 0 : index
    %swap3A_703 = arith.constant 0 : index
    %swap3A_704 = vector.load %arg15[%swap3A_701, %swap3A_702, %swap3A_703] : memref<4x64x16xf32, #tpu.memory_space<vmem>>, vector<1x64x16xf32>
    %swap3A_705 = vector.shape_cast %swap3A_704 : vector<1x64x16xf32> to vector<64x16xf32>
    %swap3A_706 = vector.shape_cast %add3A_700 : vector<64x16xf32> to vector<1x64x16xf32>
    tpu.vector_store %arg15[%swap3A_701, %swap3A_702, %swap3A_703], %swap3A_706 {strides = array<i32>} : memref<4x64x16xf32, #tpu.memory_space<vmem>>, vector<1x64x16xf32>,
    %get3A_707 = arith.constant 3 : index
    %get3A_708 = arith.constant 0 : index
    %get3A_709 = arith.constant 0 : index
    %get3A_710 = vector.load %arg1[%get3A_707, %get3A_708, %get3A_709] : memref<4x64x16xf32, #tpu.memory_space<vmem>>, vector<1x64x16xf32>
    %get3A_711 = vector.shape_cast %get3A_710 : vector<1x64x16xf32> to vector<64x16xf32>
    %broadcast_in_dim3A_712 = arith.constant 0.000000e+00 : f32
    %broadcast_in_dim3A_713 = vector.broadcast %broadcast_in_dim3A_712 : f32 to vector<64x16xf32>
    %slice3A_714 = vector.extract_strided_slice %select_n3A_125 {offsets = [1536, 0], sizes = [64, 512], strides = [1, 1]} : vector<2048x512xf32> to vector<64x512xf32>
    %get3A_715 = arith.constant 3 : index
    %get3A_716 = arith.constant 0 : index
    %get3A_717 = arith.constant 0 : index
    %get3A_718 = vector.load %arg3[%get3A_715, %get3A_716, %get3A_717] : memref<4x4096x16xf32, #tpu.memory_space<vmem>>, vector<1x512x16xf32>
    %get3A_719 = vector.shape_cast %get3A_718 : vector<1x512x16xf32> to vector<512x16xf32>
    %dot_general3A_720 = arith.constant dense<0.000000e+00> : vector<64x16xf32>
    %dot_general3A_721 = tpu.matmul %slice3A_714, %get3A_719, %dot_general3A_720 {dimension_numbers = #tpu.dot_dimension_numbers<[1], [0], [0], [1], [0, 0, 1, 1], [], []>, transpose_lhs_hint = false} : vector<64x512xf32>, vector<512x16xf32>, vector<64x16xf32> -> vector<64x16xf32>
    %add3A_722 = arith.addf %broadcast_in_dim3A_713, %dot_general3A_721 : vector<64x16xf32>
    %slice3A_723 = vector.extract_strided_slice %select_n3A_125 {offsets = [1600, 0], sizes = [64, 512], strides = [1, 1]} : vector<2048x512xf32> to vector<64x512xf32>
    %get3A_724 = arith.constant 3 : index
    %get3A_725 = arith.constant 512 : index
    %get3A_726 = arith.constant 0 : index
    %get3A_727 = vector.load %arg3[%get3A_724, %get3A_725, %get3A_726] : memref<4x4096x16xf32, #tpu.memory_space<vmem>>, vector<1x512x16xf32>
    %get3A_728 = vector.shape_cast %get3A_727 : vector<1x512x16xf32> to vector<512x16xf32>
    %dot_general3A_729 = arith.constant dense<0.000000e+00> : vector<64x16xf32>
    %dot_general3A_730 = tpu.matmul %slice3A_723, %get3A_728, %dot_general3A_729 {dimension_numbers = #tpu.dot_dimension_numbers<[1], [0], [0], [1], [0, 0, 1, 1], [], []>, transpose_lhs_hint = false} : vector<64x512xf32>, vector<512x16xf32>, vector<64x16xf32> -> vector<64x16xf32>
    %add3A_731 = arith.addf %add3A_722, %dot_general3A_730 : vector<64x16xf32>
    %slice3A_732 = vector.extract_strided_slice %select_n3A_125 {offsets = [1664, 0], sizes = [64, 512], strides = [1, 1]} : vector<2048x512xf32> to vector<64x512xf32>
    %get3A_733 = arith.constant 3 : index
    %get3A_734 = arith.constant 1024 : index
    %get3A_735 = arith.constant 0 : index
    %get3A_736 = vector.load %arg3[%get3A_733, %get3A_734, %get3A_735] : memref<4x4096x16xf32, #tpu.memory_space<vmem>>, vector<1x512x16xf32>
    %get3A_737 = vector.shape_cast %get3A_736 : vector<1x512x16xf32> to vector<512x16xf32>
    %dot_general3A_738 = arith.constant dense<0.000000e+00> : vector<64x16xf32>
    %dot_general3A_739 = tpu.matmul %slice3A_732, %get3A_737, %dot_general3A_738 {dimension_numbers = #tpu.dot_dimension_numbers<[1], [0], [0], [1], [0, 0, 1, 1], [], []>, transpose_lhs_hint = false} : vector<64x512xf32>, vector<512x16xf32>, vector<64x16xf32> -> vector<64x16xf32>
    %add3A_740 = arith.addf %add3A_731, %dot_general3A_739 : vector<64x16xf32>
    %slice3A_741 = vector.extract_strided_slice %select_n3A_125 {offsets = [1728, 0], sizes = [64, 512], strides = [1, 1]} : vector<2048x512xf32> to vector<64x512xf32>
    %get3A_742 = arith.constant 3 : index
    %get3A_743 = arith.constant 1536 : index
    %get3A_744 = arith.constant 0 : index
    %get3A_745 = vector.load %arg3[%get3A_742, %get3A_743, %get3A_744] : memref<4x4096x16xf32, #tpu.memory_space<vmem>>, vector<1x512x16xf32>
    %get3A_746 = vector.shape_cast %get3A_745 : vector<1x512x16xf32> to vector<512x16xf32>
    %dot_general3A_747 = arith.constant dense<0.000000e+00> : vector<64x16xf32>
    %dot_general3A_748 = tpu.matmul %slice3A_741, %get3A_746, %dot_general3A_747 {dimension_numbers = #tpu.dot_dimension_numbers<[1], [0], [0], [1], [0, 0, 1, 1], [], []>, transpose_lhs_hint = false} : vector<64x512xf32>, vector<512x16xf32>, vector<64x16xf32> -> vector<64x16xf32>
    %add3A_749 = arith.addf %add3A_740, %dot_general3A_748 : vector<64x16xf32>
    %slice3A_750 = vector.extract_strided_slice %select_n3A_125 {offsets = [1792, 0], sizes = [64, 512], strides = [1, 1]} : vector<2048x512xf32> to vector<64x512xf32>
    %get3A_751 = arith.constant 3 : index
    %get3A_752 = arith.constant 2048 : index
    %get3A_753 = arith.constant 0 : index
    %get3A_754 = vector.load %arg3[%get3A_751, %get3A_752, %get3A_753] : memref<4x4096x16xf32, #tpu.memory_space<vmem>>, vector<1x512x16xf32>
    %get3A_755 = vector.shape_cast %get3A_754 : vector<1x512x16xf32> to vector<512x16xf32>
    %dot_general3A_756 = arith.constant dense<0.000000e+00> : vector<64x16xf32>
    %dot_general3A_757 = tpu.matmul %slice3A_750, %get3A_755, %dot_general3A_756 {dimension_numbers = #tpu.dot_dimension_numbers<[1], [0], [0], [1], [0, 0, 1, 1], [], []>, transpose_lhs_hint = false} : vector<64x512xf32>, vector<512x16xf32>, vector<64x16xf32> -> vector<64x16xf32>
    %add3A_758 = arith.addf %add3A_749, %dot_general3A_757 : vector<64x16xf32>
    %slice3A_759 = vector.extract_strided_slice %select_n3A_125 {offsets = [1856, 0], sizes = [64, 512], strides = [1, 1]} : vector<2048x512xf32> to vector<64x512xf32>
    %get3A_760 = arith.constant 3 : index
    %get3A_761 = arith.constant 2560 : index
    %get3A_762 = arith.constant 0 : index
    %get3A_763 = vector.load %arg3[%get3A_760, %get3A_761, %get3A_762] : memref<4x4096x16xf32, #tpu.memory_space<vmem>>, vector<1x512x16xf32>
    %get3A_764 = vector.shape_cast %get3A_763 : vector<1x512x16xf32> to vector<512x16xf32>
    %dot_general3A_765 = arith.constant dense<0.000000e+00> : vector<64x16xf32>
    %dot_general3A_766 = tpu.matmul %slice3A_759, %get3A_764, %dot_general3A_765 {dimension_numbers = #tpu.dot_dimension_numbers<[1], [0], [0], [1], [0, 0, 1, 1], [], []>, transpose_lhs_hint = false} : vector<64x512xf32>, vector<512x16xf32>, vector<64x16xf32> -> vector<64x16xf32>
    %add3A_767 = arith.addf %add3A_758, %dot_general3A_766 : vector<64x16xf32>
    %slice3A_768 = vector.extract_strided_slice %select_n3A_125 {offsets = [1920, 0], sizes = [64, 512], strides = [1, 1]} : vector<2048x512xf32> to vector<64x512xf32>
    %get3A_769 = arith.constant 3 : index
    %get3A_770 = arith.constant 3072 : index
    %get3A_771 = arith.constant 0 : index
    %get3A_772 = vector.load %arg3[%get3A_769, %get3A_770, %get3A_771] : memref<4x4096x16xf32, #tpu.memory_space<vmem>>, vector<1x512x16xf32>
    %get3A_773 = vector.shape_cast %get3A_772 : vector<1x512x16xf32> to vector<512x16xf32>
    %dot_general3A_774 = arith.constant dense<0.000000e+00> : vector<64x16xf32>
    %dot_general3A_775 = tpu.matmul %slice3A_768, %get3A_773, %dot_general3A_774 {dimension_numbers = #tpu.dot_dimension_numbers<[1], [0], [0], [1], [0, 0, 1, 1], [], []>, transpose_lhs_hint = false} : vector<64x512xf32>, vector<512x16xf32>, vector<64x16xf32> -> vector<64x16xf32>
    %add3A_776 = arith.addf %add3A_767, %dot_general3A_775 : vector<64x16xf32>
    %slice3A_777 = vector.extract_strided_slice %select_n3A_125 {offsets = [1984, 0], sizes = [64, 512], strides = [1, 1]} : vector<2048x512xf32> to vector<64x512xf32>
    %get3A_778 = arith.constant 3 : index
    %get3A_779 = arith.constant 3584 : index
    %get3A_780 = arith.constant 0 : index
    %get3A_781 = vector.load %arg3[%get3A_778, %get3A_779, %get3A_780] : memref<4x4096x16xf32, #tpu.memory_space<vmem>>, vector<1x512x16xf32>
    %get3A_782 = vector.shape_cast %get3A_781 : vector<1x512x16xf32> to vector<512x16xf32>
    %dot_general3A_783 = arith.constant dense<0.000000e+00> : vector<64x16xf32>
    %dot_general3A_784 = tpu.matmul %slice3A_777, %get3A_782, %dot_general3A_783 {dimension_numbers = #tpu.dot_dimension_numbers<[1], [0], [0], [1], [0, 0, 1, 1], [], []>, transpose_lhs_hint = false} : vector<64x512xf32>, vector<512x16xf32>, vector<64x16xf32> -> vector<64x16xf32>
    %add3A_785 = arith.addf %add3A_776, %dot_general3A_784 : vector<64x16xf32>
    %reduce_sum3A_786 = arith.constant dense<0.000000e+00> : vector<16xf32>
    %reduce_sum3A_787 = vector.multi_reduction <add>, %get3A_711, %reduce_sum3A_786 [0] : vector<64x16xf32> to vector<16xf32>
    %broadcast_in_dim3A_788 = vector.shape_cast %reduce_sum3A_787 : vector<16xf32> to vector<1x16xf32>
    %sub3A_789 = vector.broadcast %broadcast_in_dim3A_788 : vector<1x16xf32> to vector<64x16xf32>
    %sub3A_790 = arith.subf %sub3A_789, %get3A_711 : vector<64x16xf32>
    %get3A_791 = arith.constant 0 : index
    %get3A_792 = arith.constant 0 : index
    %get3A_793 = vector.load %arg6[%get3A_791, %get3A_792] : memref<16x16xf32, #tpu.memory_space<vmem>>, vector<16x16xf32>
    %dot_general3A_794 = arith.constant dense<0.000000e+00> : vector<64x16xf32>
    %dot_general3A_795 = tpu.matmul %sub3A_790, %get3A_793, %dot_general3A_794 {dimension_numbers = #tpu.dot_dimension_numbers<[1], [0], [0], [1], [0, 0, 1, 1], [], []>, transpose_lhs_hint = false} : vector<64x16xf32>, vector<16x16xf32>, vector<64x16xf32> -> vector<64x16xf32>
    %add3A_796 = arith.addf %add3A_785, %dot_general3A_795 : vector<64x16xf32>
    %mul3A_797 = arith.constant 0.0158730168 : f32
    %mul3A_798 = vector.broadcast %mul3A_797 : f32 to vector<64x16xf32>
    %mul3A_799 = arith.mulf %add3A_796, %mul3A_798 : vector<64x16xf32>
    %get3A_800 = arith.constant 0 : index
    %get3A_801 = arith.constant 0 : index
    %get3A_802 = vector.load %arg7[%get3A_800, %get3A_801] : memref<16x16xf32, #tpu.memory_space<vmem>>, vector<16x16xf32>
    %dot_general3A_803 = arith.constant dense<0.000000e+00> : vector<64x16xf32>
    %dot_general3A_804 = tpu.matmul %get3A_711, %get3A_802, %dot_general3A_803 {dimension_numbers = #tpu.dot_dimension_numbers<[1], [0], [0], [1], [0, 0, 1, 1], [], []>, transpose_lhs_hint = false} : vector<64x16xf32>, vector<16x16xf32>, vector<64x16xf32> -> vector<64x16xf32>
    %add3A_805 = arith.addf %mul3A_799, %dot_general3A_804 : vector<64x16xf32>
    %get3A_806 = arith.constant 0 : index
    %get3A_807 = arith.constant 0 : index
    %get3A_808 = vector.load %arg8[%get3A_806, %get3A_807] : memref<1x16xf32, #tpu.memory_space<vmem>>, vector<1x16xf32>
    %get3A_809 = vector.shape_cast %get3A_808 : vector<1x16xf32> to vector<16xf32>
    %broadcast_in_dim3A_810 = vector.shape_cast %get3A_809 : vector<16xf32> to vector<1x16xf32>
    %add3A_811 = vector.broadcast %broadcast_in_dim3A_810 : vector<1x16xf32> to vector<64x16xf32>
    %add3A_812 = arith.addf %add3A_805, %add3A_811 : vector<64x16xf32>
    %mul3A_813 = arith.constant 5.000000e-01 : f32
    %mul3A_814 = vector.broadcast %mul3A_813 : f32 to vector<64x16xf32>
    %mul3A_815 = arith.mulf %mul3A_814, %add3A_812 : vector<64x16xf32>
    %mul3A_816 = arith.constant 0.707106769 : f32
    %mul3A_817 = vector.broadcast %mul3A_816 : f32 to vector<64x16xf32>
    %mul3A_818 = arith.mulf %add3A_812, %mul3A_817 : vector<64x16xf32>
    %erf3A_819 = math.erf %mul3A_818 : vector<64x16xf32>
    %add3A_820 = arith.constant 1.000000e+00 : f32
    %add3A_821 = vector.broadcast %add3A_820 : f32 to vector<64x16xf32>
    %add3A_822 = arith.addf %add3A_821, %erf3A_819 : vector<64x16xf32>
    %mul3A_823 = arith.mulf %mul3A_815, %add3A_822 : vector<64x16xf32>
    %add3A_824 = arith.addf %get3A_711, %mul3A_823 : vector<64x16xf32>
    %get3A_825 = arith.constant 0 : index
    %get3A_826 = arith.constant 0 : index
    %get3A_827 = vector.load %arg9[%get3A_825, %get3A_826] : memref<16x32xf32, #tpu.memory_space<vmem>>, vector<16x32xf32>
    %dot_general3A_828 = arith.constant dense<0.000000e+00> : vector<64x32xf32>
    %dot_general3A_829 = tpu.matmul %add3A_824, %get3A_827, %dot_general3A_828 {dimension_numbers = #tpu.dot_dimension_numbers<[1], [0], [0], [1], [0, 0, 1, 1], [], []>, transpose_lhs_hint = false} : vector<64x16xf32>, vector<16x32xf32>, vector<64x32xf32> -> vector<64x32xf32>
    %get3A_830 = arith.constant 0 : index
    %get3A_831 = arith.constant 0 : index
    %get3A_832 = vector.load %arg10[%get3A_830, %get3A_831] : memref<1x32xf32, #tpu.memory_space<vmem>>, vector<1x32xf32>
    %get3A_833 = vector.shape_cast %get3A_832 : vector<1x32xf32> to vector<32xf32>
    %broadcast_in_dim3A_834 = vector.shape_cast %get3A_833 : vector<32xf32> to vector<1x32xf32>
    %add3A_835 = vector.broadcast %broadcast_in_dim3A_834 : vector<1x32xf32> to vector<64x32xf32>
    %add3A_836 = arith.addf %dot_general3A_829, %add3A_835 : vector<64x32xf32>
    %mul3A_837 = arith.constant 5.000000e-01 : f32
    %mul3A_838 = vector.broadcast %mul3A_837 : f32 to vector<64x32xf32>
    %mul3A_839 = arith.mulf %mul3A_838, %add3A_836 : vector<64x32xf32>
    %mul3A_840 = arith.constant 0.707106769 : f32
    %mul3A_841 = vector.broadcast %mul3A_840 : f32 to vector<64x32xf32>
    %mul3A_842 = arith.mulf %add3A_836, %mul3A_841 : vector<64x32xf32>
    %erf3A_843 = math.erf %mul3A_842 : vector<64x32xf32>
    %add3A_844 = arith.constant 1.000000e+00 : f32
    %add3A_845 = vector.broadcast %add3A_844 : f32 to vector<64x32xf32>
    %add3A_846 = arith.addf %add3A_845, %erf3A_843 : vector<64x32xf32>
    %mul3A_847 = arith.mulf %mul3A_839, %add3A_846 : vector<64x32xf32>
    %get3A_848 = arith.constant 0 : index
    %get3A_849 = arith.constant 0 : index
    %get3A_850 = vector.load %arg11[%get3A_848, %get3A_849] : memref<32x16xf32, #tpu.memory_space<vmem>>, vector<32x16xf32>
    %dot_general3A_851 = arith.constant dense<0.000000e+00> : vector<64x16xf32>
    %dot_general3A_852 = tpu.matmul %mul3A_847, %get3A_850, %dot_general3A_851 {dimension_numbers = #tpu.dot_dimension_numbers<[1], [0], [0], [1], [0, 0, 1, 1], [], []>, transpose_lhs_hint = false} : vector<64x32xf32>, vector<32x16xf32>, vector<64x16xf32> -> vector<64x16xf32>
    %add3A_853 = arith.addf %add3A_824, %dot_general3A_852 : vector<64x16xf32>
    %get3A_854 = arith.constant 0 : index
    %get3A_855 = arith.constant 0 : index
    %get3A_856 = vector.load %arg12[%get3A_854, %get3A_855] : memref<1x16xf32, #tpu.memory_space<vmem>>, vector<1x16xf32>
    %get3A_857 = vector.shape_cast %get3A_856 : vector<1x16xf32> to vector<16xf32>
    %broadcast_in_dim3A_858 = vector.shape_cast %get3A_857 : vector<16xf32> to vector<1x16xf32>
    %add3A_859 = vector.broadcast %broadcast_in_dim3A_858 : vector<1x16xf32> to vector<64x16xf32>
    %add3A_860 = arith.addf %add3A_853, %add3A_859 : vector<64x16xf32>
    %reduce_sum3A_861 = arith.constant dense<0.000000e+00> : vector<64xf32>
    %reduce_sum3A_862 = vector.multi_reduction <add>, %add3A_860, %reduce_sum3A_861 [1] : vector<64x16xf32> to vector<64xf32>
    %broadcast_in_dim3A_863 = vector.shape_cast %reduce_sum3A_862 : vector<64xf32> to vector<64x1xf32>
    %div3A_864 = arith.constant 1.600000e+01 : f32
    %div3A_865 = vector.broadcast %div3A_864 : f32 to vector<64x1xf32>
    %div3A_866 = arith.divf %broadcast_in_dim3A_863, %div3A_865 : vector<64x1xf32>
    %sub3A_867 = vector.broadcast %div3A_866 : vector<64x1xf32> to vector<64x16xf32>
    %sub3A_868 = arith.subf %add3A_860, %sub3A_867 : vector<64x16xf32>
    %mul3A_869 = arith.mulf %sub3A_868, %sub3A_868 : vector<64x16xf32>
    %reduce_sum3A_870 = arith.constant dense<0.000000e+00> : vector<64xf32>
    %reduce_sum3A_871 = vector.multi_reduction <add>, %mul3A_869, %reduce_sum3A_870 [1] : vector<64x16xf32> to vector<64xf32>
    %broadcast_in_dim3A_872 = vector.shape_cast %reduce_sum3A_871 : vector<64xf32> to vector<64x1xf32>
    %div3A_873 = arith.constant 1.600000e+01 : f32
    %div3A_874 = vector.broadcast %div3A_873 : f32 to vector<64x1xf32>
    %div3A_875 = arith.divf %broadcast_in_dim3A_872, %div3A_874 : vector<64x1xf32>
    %add3A_876 = arith.constant 9.99999974E-6 : f32
    %add3A_877 = vector.broadcast %add3A_876 : f32 to vector<64x1xf32>
    %add3A_878 = arith.addf %div3A_875, %add3A_877 : vector<64x1xf32>
    %rsqrt3A_879 = math.rsqrt %add3A_878 : vector<64x1xf32>
    %mul3A_880 = vector.broadcast %rsqrt3A_879 : vector<64x1xf32> to vector<64x16xf32>
    %mul3A_881 = arith.mulf %sub3A_868, %mul3A_880 : vector<64x16xf32>
    %get3A_882 = arith.constant 0 : index
    %get3A_883 = arith.constant 0 : index
    %get3A_884 = vector.load %arg13[%get3A_882, %get3A_883] : memref<1x16xf32, #tpu.memory_space<vmem>>, vector<1x16xf32>
    %get3A_885 = vector.shape_cast %get3A_884 : vector<1x16xf32> to vector<16xf32>
    %broadcast_in_dim3A_886 = vector.shape_cast %get3A_885 : vector<16xf32> to vector<1x16xf32>
    %mul3A_887 = vector.broadcast %broadcast_in_dim3A_886 : vector<1x16xf32> to vector<64x16xf32>
    %mul3A_888 = arith.mulf %mul3A_881, %mul3A_887 : vector<64x16xf32>
    %get3A_889 = arith.constant 0 : index
    %get3A_890 = arith.constant 0 : index
    %get3A_891 = vector.load %arg14[%get3A_889, %get3A_890] : memref<1x16xf32, #tpu.memory_space<vmem>>, vector<1x16xf32>
    %get3A_892 = vector.shape_cast %get3A_891 : vector<1x16xf32> to vector<16xf32>
    %broadcast_in_dim3A_893 = vector.shape_cast %get3A_892 : vector<16xf32> to vector<1x16xf32>
    %add3A_894 = vector.broadcast %broadcast_in_dim3A_893 : vector<1x16xf32> to vector<64x16xf32>
    %add3A_895 = arith.addf %mul3A_888, %add3A_894 : vector<64x16xf32>
    %swap3A_896 = arith.constant 3 : index
    %swap3A_897 = arith.constant 0 : index
    %swap3A_898 = arith.constant 0 : index
    %swap3A_899 = vector.load %arg15[%swap3A_896, %swap3A_897, %swap3A_898] : memref<4x64x16xf32, #tpu.memory_space<vmem>>, vector<1x64x16xf32>
    %swap3A_900 = vector.shape_cast %swap3A_899 : vector<1x64x16xf32> to vector<64x16xf32>
    %swap3A_901 = vector.shape_cast %add3A_895 : vector<64x16xf32> to vector<1x64x16xf32>
    tpu.vector_store %arg15[%swap3A_896, %swap3A_897, %swap3A_898], %swap3A_901 {strides = array<i32>} : memref<4x64x16xf32, #tpu.memory_space<vmem>>, vector<1x64x16xf32>,
    return
  }
  func.func @transform_0(%arg0: i32) -> (i32, i32, i32) {
    %c0_i32 = arith.constant 0 : i32
    %c0_i32_0 = arith.constant 0 : i32
    %c0_i32_1 = arith.constant 0 : i32
    return %arg0, %c0_i32, %c0_i32_0 : i32, i32, i32
  }
  func.func @transform_1(%arg0: i32) -> (i32, i32, i32) {
    %c0_i32 = arith.constant 0 : i32
    %c0_i32_0 = arith.constant 0 : i32
    %c0_i32_1 = arith.constant 0 : i32
    return %arg0, %c0_i32, %c0_i32_0 : i32, i32, i32
  }
  func.func @transform_2(%arg0: i32) -> (i32, i32, i32) {
    %c0_i32 = arith.constant 0 : i32
    %c0_i32_0 = arith.constant 0 : i32
    %c0_i32_1 = arith.constant 0 : i32
    return %arg0, %c0_i32, %c0_i32_0 : i32, i32, i32
  }
  func.func @transform_3(%arg0: i32) -> (i32, i32) {
    %c0_i32 = arith.constant 0 : i32
    %c0_i32_0 = arith.constant 0 : i32
    %c0_i32_1 = arith.constant 0 : i32
    return %c0_i32, %c0_i32_0 : i32, i32
  }
  func.func @transform_4(%arg0: i32) -> (i32, i32) {
    %c0_i32 = arith.constant 0 : i32
    %c0_i32_0 = arith.constant 0 : i32
    %c0_i32_1 = arith.constant 0 : i32
    return %c0_i32, %c0_i32_0 : i32, i32
  }
  func.func @transform_5(%arg0: i32) -> (i32, i32) {
    %c0_i32 = arith.constant 0 : i32
    %c0_i32_0 = arith.constant 0 : i32
    %c0_i32_1 = arith.constant 0 : i32
    return %c0_i32, %c0_i32_0 : i32, i32
  }
  func.func @transform_6(%arg0: i32) -> (i32, i32) {
    %c0_i32 = arith.constant 0 : i32
    %c0_i32_0 = arith.constant 0 : i32
    %c0_i32_1 = arith.constant 0 : i32
    return %c0_i32, %c0_i32_0 : i32, i32
  }
  func.func @transform_7(%arg0: i32) -> (i32, i32) {
    %c0_i32 = arith.constant 0 : i32
    %c0_i32_0 = arith.constant 0 : i32
    %c0_i32_1 = arith.constant 0 : i32
    return %c0_i32, %c0_i32_0 : i32, i32
  }
  func.func @transform_8(%arg0: i32) -> (i32, i32) {
    %c0_i32 = arith.constant 0 : i32
    %c0_i32_0 = arith.constant 0 : i32
    %c0_i32_1 = arith.constant 0 : i32
    return %c0_i32, %c0_i32_0 : i32, i32
  }
  func.func @transform_9(%arg0: i32) -> (i32, i32) {
    %c0_i32 = arith.constant 0 : i32
    %c0_i32_0 = arith.constant 0 : i32
    %c0_i32_1 = arith.constant 0 : i32
    return %c0_i32, %c0_i32_0 : i32, i32
  }
  func.func @transform_10(%arg0: i32) -> (i32, i32) {
    %c0_i32 = arith.constant 0 : i32
    %c0_i32_0 = arith.constant 0 : i32
    %c0_i32_1 = arith.constant 0 : i32
    return %c0_i32, %c0_i32_0 : i32, i32
  }
  func.func @transform_11(%arg0: i32) -> (i32, i32) {
    %c0_i32 = arith.constant 0 : i32
    %c0_i32_0 = arith.constant 0 : i32
    %c0_i32_1 = arith.constant 0 : i32
    return %c0_i32, %c0_i32_0 : i32, i32
  }
  func.func @transform_12(%arg0: i32) -> (i32, i32) {
    %c0_i32 = arith.constant 0 : i32
    %c0_i32_0 = arith.constant 0 : i32
    %c0_i32_1 = arith.constant 0 : i32
    return %c0_i32, %c0_i32_0 : i32, i32
  }
  func.func @transform_13(%arg0: i32) -> (i32, i32) {
    %c0_i32 = arith.constant 0 : i32
    %c0_i32_0 = arith.constant 0 : i32
    %c0_i32_1 = arith.constant 0 : i32
    return %c0_i32, %c0_i32_0 : i32, i32
  }
  func.func @transform_14(%arg0: i32) -> (i32, i32, i32) {
    %c0_i32 = arith.constant 0 : i32
    %c0_i32_0 = arith.constant 0 : i32
    %c0_i32_1 = arith.constant 0 : i32
    return %arg0, %c0_i32, %c0_i32_0 : i32, i32, i32
  }
}

</mosaic_0001>

<sc_bundles>
// kernel: kernel.5.cloned.1.call-start
scs
__scs_entry_jumppad:
0x0: {  	(pc) =	sbr.rel $0x88, $3  }
0x1: {  	(tag) =	ssettag $0x0;
	lr =	simm.s32 $0x1  }
0x2: {  	[smem:$0x3F8F] =	sst lr;
	_ =	strace $0xD0000000  }
0x3: {  	_ = 	snop  }
0x4: {  	_ = 	snop  }
0x5: {  	_ = 	snop  }
0x6: {  	_ = 	snop  }
0x7: {  	_ = 	snop  }
__scs_overlays_trampoline_lowered:
0x8: {  	[smem:$0x3F9E] =	sst s0  }
0x9: {  	[smem:$0x3F9F] =	sst s1  }
0xa: {  	[smem:$0x3FA0] =	sst s2  }
0xb: {  	[smem:$0x3FA1] =	sst s3  }
0xc: {  	[smem:$0x3FA2] =	sst s4  }
0xd: {  	[smem:$0x3FA3] =	sst s5  }
0xe: {  	[smem:$0x3FA4] =	sst s6  }
0xf: {  	[smem:$0x3FA5] =	sst s7  }
0x10: {  	[smem:$0x3FA6] =	sst s8  }
0x11: {  	[smem:$0x3FA7] =	sst s9;
	s0 =	simm.s32 @!p0 $0x0  }
0x12: {  	s1 =	sld [smem:$0x3F8D];
	s0 =	simm.s32 @p0 $0x1  }
0x13: {  	[smem:$0x3FA8] =	sst s0;
	s0 =	simm.s32 @!p1 $0x0  }
0x14: {  	s2 =	sld [smem:$0x3F8C];
	s0 =	simm.s32 @p1 $0x1  }
0x15: {  	[smem:$0x3FA9] =	sst s0;
	s0 =	simm.s32 @!p2 $0x0  }
0x16: {  	s3 =	sld [smem:$0x3FDB];
	s0 =	simm.s32 @p2 $0x1  }
0x17: {  	s4 =	simm.s32 $0x1BF5;
	[smem:$0x3FAB] =	sst s0  }
0x18: {  	s0 =	sld [smem:$0x3F8E];
	_ =	swait.ge [sflag:s4], $0x0  }
0x19: {  	s7 =	sld [smem:$0x3F8F]  }
0x1a: {  	s8 =	sadd.s32 $0xFFFFE003, lr  }
0x1b: {  	s9 =	sadd.s32 $0xFFFFFEF7, lr;
	s5 =	simm.s32 $0xFFFFFFFF;
	p2 =	slt.u32 s8, $0xFFFFF086  }
0x1c: {  	p1 =	slt.u32 s9, $0xF7A;
	s5 =	simm.s32 @!p2 $0x0  }
0x1d: {  	s5 =	simm.s32 @p1 $0x1;
	p0 =	seq.s32 s7, s2  }
0x1e: {  	s7 =	smul.u32 @!p0 $0xF7A, s2;
	p2 =	seq.s32 @!p0 s5, $0x0  }
0x1f: {  	s9 =	smul.u32 $0xF7A, s1;
	s8 =	simm.s32 @!p0 $0x1BF5;
	p2 =	por !p2, p0  }
0x20: {  	[sflag:s8] =	ssyncset.s32 @!p0 $0xFFFFF086;
	s6 =	sadd.s32 @!p0 s3, s7;
	s7 =	simm.s32 @!p0 $0x108  }
0x21: {  	s3 =	sadd.s32 s3, s9;
	s6 =	sadd.s32 @!p0 $0x88, s6;
	s7 =	simm.s32 @p2 $0x1082  }
0x22: {  	[simem:s7], [sflag:s8] =	dma.local @!p0 [hbm:s6], $0xF7A  }
0x23: {  	s9 =	sor.u32 $0xD0000000, s2;
	s6 =	simm.s32 $0x108;
	_ =	swait.ge @!p0 [sflag:s8], $0x0  }
0x24: {  	s3 =	sadd.s32 $0x88, s3;
	s6 =	simm.s32 @!p1 $0x1082;
	[sflag:s4] =	ssyncset.s32 $0xFFFFF086  }
0x25: {  	[simem:s6], [sflag:s4] =	dma.local [hbm:s3], $0xF7A  }
0x26: {  	[smem:$0x3F8F] =	sst s1;
	(tag) =	ssettag s2;
	_ =	strace s9  }
0x27: {  	s1 =	sld [smem:$0x3F9F]  }
0x28: {  	s2 =	sld [smem:$0x3FA0]  }
0x29: {  	s4 =	sld [smem:$0x3FA2]  }
0x2a: {  	p0 =	seq.s32 s5, $0x0;
	s5 =	sld [smem:$0x3FA3]  }
0x2b: {  	s6 =	sld [smem:$0x3FA4]  }
0x2c: {  	s7 =	sld [smem:$0x3FA5]  }
0x2d: {  	s3 =	simm.s32 $0x108;
	s8 =	sld [smem:$0x3FA6]  }
0x2e: {  	s3 =	simm.s32 @!p0 $0x1082;
	s9 =	sld [smem:$0x3FA7]  }
0x2f: {  	lr =	sadd.s32 s0, s3;
	s0 =	sld [smem:$0x3F9E]  }
0x30: {  	s3 =	sld [smem:$0x3FA1]  }
0x31: {  	[smem:$0x3FAA] =	sst s10  }
0x32: {  	s10 =	sld [smem:$0x3FA8];
	_ =	sdelay $0x3  }
0x33: {  	p0 =	seq.s32 s10, $0x1;
	s10 =	sld [smem:$0x3FAA];
	_ =	sdelay $0x3  }
0x34: {  	[smem:$0x3FAA] =	sst s10  }
0x35: {  	s10 =	sld [smem:$0x3FA9];
	_ =	sdelay $0x3  }
0x36: {  	p1 =	seq.s32 s10, $0x1;
	s10 =	sld [smem:$0x3FAA];
	_ =	sdelay $0x3  }
0x37: {  	[smem:$0x3FAA] =	sst s10  }
0x38: {  	s10 =	sld [smem:$0x3FAB]  }
0x39: {  	_ = 	snop;
	(pc) =	sbr.ind lr, $3  }
0x3a: {  	_ = 	snop  }
0x3b: {  	_ = 	snop  }
0x3c: {  	p2 =	seq.s32 s10, $0x1;
	s10 =	sld [smem:$0x3FAA]  }
0x3d: {  	_ =	shalt  }
0x3e: {  	_ =	shalt  }
0x3f: {  	_ =	shalt  }
0x40: {  	_ =	shalt  }
0x41: {  	_ =	shalt  }
0x42: {  	_ =	shalt  }
0x43: {  	_ =	shalt  }
0x44: {  	_ =	shalt  }
0x45: {  	_ =	shalt  }
0x46: {  	_ =	shalt  }
0x47: {  	_ =	shalt  }
0x48: {  	_ =	shalt  }
0x49: {  	_ =	shalt  }
0x4a: {  	_ =	shalt  }
0x4b: {  	_ =	shalt  }
0x4c: {  	_ =	shalt  }
0x4d: {  	_ =	shalt  }
0x4e: {  	_ =	shalt  }
0x4f: {  	_ =	shalt  }
0x50: {  	_ =	shalt  }
0x51: {  	_ =	shalt  }
0x52: {  	_ =	shalt  }
0x53: {  	_ =	shalt  }
0x54: {  	_ =	shalt  }
0x55: {  	_ =	shalt  }
0x56: {  	_ =	shalt  }
0x57: {  	_ =	shalt  }
0x58: {  	_ =	shalt  }
0x59: {  	_ =	shalt  }
0x5a: {  	_ =	shalt  }
0x5b: {  	_ =	shalt  }
0x5c: {  	_ =	shalt  }
0x5d: {  	_ =	shalt  }
0x5e: {  	_ =	shalt  }
0x5f: {  	_ =	shalt  }
0x60: {  	_ =	shalt  }
0x61: {  	_ =	shalt  }
0x62: {  	_ =	shalt  }
0x63: {  	_ =	shalt  }
0x64: {  	_ =	shalt  }
0x65: {  	_ =	shalt  }
0x66: {  	_ =	shalt  }
0x67: {  	_ =	shalt  }
0x68: {  	_ =	shalt  }
0x69: {  	_ =	shalt  }
0x6a: {  	_ =	shalt  }
0x6b: {  	_ =	shalt  }
0x6c: {  	_ =	shalt  }
0x6d: {  	_ =	shalt  }
0x6e: {  	_ =	shalt  }
0x6f: {  	_ =	shalt  }
0x70: {  	_ =	shalt  }
0x71: {  	_ =	shalt  }
0x72: {  	_ =	shalt  }
0x73: {  	_ =	shalt  }
0x74: {  	_ =	shalt  }
0x75: {  	_ =	shalt  }
0x76: {  	_ =	shalt  }
0x77: {  	_ =	shalt  }
0x78: {  	_ =	shalt  }
0x79: {  	_ =	shalt  }
0x7a: {  	_ =	shalt  }
0x7b: {  	_ =	shalt  }
0x7c: {  	_ =	shalt  }
0x7d: {  	_ =	shalt  }
0x7e: {  	_ =	shalt  }
0x7f: {  	_ =	shalt  }
0x80: {  	_ =	shalt  }
0x81: {  	_ =	shalt  }
0x82: {  	_ =	shalt  }
0x83: {  	_ =	shalt  }
0x84: {  	_ =	shalt  }
0x85: {  	_ =	shalt  }
0x86: {  	_ =	shalt  }
0x87: {  	_ =	shalt  }
.Lfunc_end0:
.L_simem_size_0:
called_computation_lowered:
.L_overlay_start_0:
0x88: {  	s2 =	sld [smem:$0x3FD9]  }
0x89: {  	s3 =	sld [smem:$0x3FFE];
	_ =	sdelay $0x1  }
0x8a: {  	s1 =	srdreg.scid  }
0x8b: {  	s0 =	sand.u32 $0x1, s1  }
0x8c: {  	s17 =	sshll.u32 s0, $0xA;
	s2 =	sadd.s32 s3, s2  }
0x8d: {  	s2 =	sadd.s32 s2, s17  }
0x8e: {  	[smem:$0x3FB6] =	sst s2  }
0x8f: {  	_ = 	snop  }
0x90: {  	s2 =	sld [smem:$0x3FD0];
	(tm) =	ssettm $0x1  }
0x91: {  	s18 =	sld [smem:$0x3FFB];
	_ =	sdelay $0x3  }
0x92: {  	_ =	strace s18  }
0x93: {  	s3 =	sld [smem:$0x3FFC];
	_ =	sdelay $0x3  }
0x94: {  	_ =	strace s3  }
0x95: {  	s3 =	sld [smem:$0x3FFD];
	_ =	sdelay $0x3  }
0x96: {  	_ =	strace s3  }
0x97: {  	_ =	strace $0x8FFFFFFF  }
0x98: {  	s19 =	sld [smem:$0x3FDB];
	_ =	sdelay $0x1  }
0x99: {  	s4 =	simm.s32 $_scs_section_size  }
0x9a: {  	s5 =	simm.s32 $_size__tile_overlayer_lowered;
	s6 =	simm.s32 $_tile_overlayer_lowered  }
0x9b: {  	s22 =	simm.s32 $0x1BFF;
	s21 =	sshll.u32 s6, $0x1;
	s3 =	sadd.s32 s4, s19  }
0x9c: {  	s7 =	simm.s32 $0x0;
	s20 =	sshll.u32 s5, $0x1;
	s5 =	sadd.s32 s21, s3  }
0x9d: {  	[timem:s7], [sflag:s22] =	dma.local [hbm:s5], s20  }
0x9e: {  	_ =	swait.ge [sflag:s22], s20  }
0x9f: {  	s4 =	ssub.s32 $0x0, s20;
	[sflag:s22] =	ssyncset.done $0x0  }
0xa0: {  	[sflag:s22] =	ssyncadd.s32 s4;
	_ =	sdelay $0x1  }
0xa1: {  	s23 =	simm.s32 $0x1B8B  }
0xa2: {  	_ =	swait.ge [sflag:s23], $0x1  }
0xa3: {  	[sflag:s23] =	ssyncset.done $0x0  }
0xa4: {  	s25 =	simm.s32 $0x1B8E;
	s24 =	sld [smem:$0x3FFE];
	[sflag:s23] =	ssyncadd.s32 $0xFFFFFFFF  }
0xa5: {  	s26 =	simm.s32 $execute0_lowered;
	[smem:$0x3FD2] =	sst s25  }
0xa6: {  	s5 =	sshll.u32 s26, $0x1;
	_ =	strace $0x80000046;
	[dreg:$0x1] =	wrdreg $0xFFFFFFFF  }
0xa7: {  	s28 =	simm.s32 $_size_execute0_lowered;
	s3 =	sadd.s32 s3, s5;
	[dreg:$0x0] =	wrdreg $0x0  }
0xa8: {  	s5 =	sshll.u32 s28, $0x1;
	[dreg:$0x2] =	wrdreg s3  }
0xa9: {  	[dreg:$0x3] =	wrdreg s5  }
0xaa: {  	[dreg:$0x4] =	wrdreg $0xC0  }
0xab: {  	_ =	task [dreg:s7], $0x5FFFF  }
0xac: {  	[dreg:$0x1] =	wrdreg $0xFFFFFFFF  }
0xad: {  	[dreg:$0x0] =	wrdreg $0x60  }
0xae: {  	[dreg:$0x2] =	wrdreg s2  }
0xaf: {  	[dreg:$0x3] =	wrdreg s24  }
0xb0: {  	[dreg:$0x4] =	wrdreg $0x9  }
0xb1: {  	_ =	task.clear_ibuf [dreg:s7], $0x5FFFF;
	_ =	strace $0x90000046  }
0xb2: {  	s29 =	simm.s32 $0x9;
	_ =	strace $0x80000048  }
0xb3: {  	_ =	swait.ge [sflag:s29], $0x1  }
0xb4: {  	[sflag:s29] =	ssyncadd.s32 $0xFFFFFFFF  }
0xb5: {  	_ =	strace $0x90000048  }
0xb6: {  	_ =	sfence  }
0xb7: {  	s30 =	sld [smem:$0x0];
	_ =	sdelay $0x2  }
0xb8: {  	s31 =	sshll.u32 s1, $0xD;
	s1 =	sshrl.u32 s1, $0x2  }
0xb9: {  	s3 =	sand.u32 $0x4000, s31;
	s1 =	sadd.s32 s1, s30  }
0xba: {  	s0 =	sor.u32 s3, s0;
	s1 =	sshll.u32 s1, $0x11  }
0xbb: {  	s0 =	sor.u32 s1, s0  }
0xbc: {  	s0 =	sadd.s32 $0x8F2B, s0  }
0xbd: {  	[sflag:s0] =	ssyncadd.remote.s32 $0x1  }
0xbe: {  	_ =	sfence.sel $0xFFFF  }
0xbf: {  	[dreg:$0x0] =	wrdreg $0xFFFFFFFF;
	(pc) =	sbr.abs _section_cstart, $3  }
0xc0: {  	[dreg:$0x1] =	wrdreg $0xFFFFFFFF  }
0xc1: {  	_ =	task.clear_ibuf [dreg:s7], $0x2FFFF;
	_ =	strace $0x9FFFFFFF  }
0xc2: {  	(tm) =	ssettm $0x7FFFFFFF  }
0xc3: {  	_ =	shalt  }
tec
execute0_lowered:
.L_overlay_start_1:
0x0: {  	(tag) =	ssettag $0x1  }
0x1: {  	s1 =	rddreg [dreg:$0x0]  }
0x2: {  	s4 =	rddreg [dreg:$0x1]  }
0x3: {  	s0 =	rddreg [dreg:$0x2];
	s5 =	srdreg.scid  }
0x4: {  	s3 =	simm.s32 $0x0;
	s2 =	stileid.u32;
	s5 =	sand.u32 $0x1, s5  }
0x5: {  	[smem:$0x7FF] =	sst s3;
	s6 =	sshll.u32 s2, $0x2;
	s8 =	sadd.s32 $0x2A00, s4  }
0x6: {  	s10 =	sadd.s32 $0x22200, s4;
	s7 =	sshll.u32 s5, $0x1;
	s5 =	ssub.s32 $0x2, s5  }
0x7: {  	_ =	strace $0x80000047;
	s6 =	sor.u32 s7, s6;
	s29 =	sshrl.u32 s5, $0x1  }
0x8: {  	s7 =	smul.u32 $0x7E0, s6;
	s9 =	sor.u32 $0x1, s6;
	s30 =	sshll.u32 s6, $0xB  }
0x9: {  	s12 =	ssub.s32 s5, s29;
	s11 =	smul.u32 $0x7E0, s9;
	s5 =	sadd.s32 s10, s30  }
0xa: {  	s31 =	sshll.u32 s9, $0xB;
	s9 =	simm.s32 $0x1;
	s4 =	sadd.s32 s8, s7  }
0xb: {  	s7 =	sadd.s32 s10, s31;
	s10 =	simm.s32 $0x4000;
	s6 =	sadd.s32 s8, s11  }
0xc: {  	s8 =	smax.u32 s12, $0x1;
	s11 =	simm.s32 $0x7F00;
	s12 =	simm.s32 $0x0  }
.LBB2_1:
0xd: {  	[tilespmem:s3], [sflag:$0x1] =	stream.linear.gather [hbm4b:s1+s3], $0x4000, $0x38;
	[tilespmem:$0xBF00] =	vst v63  }
0xe: {  	_ =	swait.ge [sflag:s9], $0x4000  }
0xf: {  	[sflag:s9] =	ssyncset.done $0x0  }
0x10: {  	[sflag:s9] =	ssyncadd.s32 $0xFFFFC000  }
0x11: {  	[tilespmem:s10], [sflag:$0x1] =	stream.linear.gather [hbm4b:s4+s3], $0x3F00, $0x38;
	[tilespmem:$0xBF00] =	vst v63  }
0x12: {  	_ =	swait.ge [sflag:s9], $0x3F00  }
0x13: {  	[sflag:s9] =	ssyncset.done $0x0  }
0x14: {  	s13 =	simm.s32 $0x0;
	[sflag:s9] =	ssyncadd.s32 $0xFFFFC100  }
0x15: {  	v0 =	vld [tilespmem:s13+$0x0];
	_ =	sdelay $0x5  }
0x16: {  	v1 =	vld [tilespmem:s13+$0x10];
	_ =	sdelay $0x1  }
0x17: {  	v0 =	vld.idx.msk [tilespmem:v0+s10+$0x0], $0xffff;
	_ =	sdelay $0x4  }
0x18: {  	[tilespmem:s13+$0x7F00] =	vst v0;
	v0 =	vld [tilespmem:s13+$0x20]  }
0x19: {  	v1 =	vld.idx.msk [tilespmem:v1+s10+$0x0], $0xffff;
	_ =	sdelay $0x4  }
0x1a: {  	[tilespmem:s13+$0x7F10] =	vst v1;
	v1 =	vld [tilespmem:s13+$0x30];
	_ =	sdelay $0x1  }
0x1b: {  	v0 =	vld.idx.msk [tilespmem:v0+s10+$0x0], $0xffff;
	_ =	sdelay $0x4  }
0x1c: {  	[tilespmem:s13+$0x7F20] =	vst v0;
	v0 =	vld [tilespmem:s13+$0x40]  }
0x1d: {  	v1 =	vld.idx.msk [tilespmem:v1+s10+$0x0], $0xffff;
	_ =	sdelay $0x4  }
0x1e: {  	[tilespmem:s13+$0x7F30] =	vst v1;
	v1 =	vld [tilespmem:s13+$0x50];
	_ =	sdelay $0x1  }
0x1f: {  	v0 =	vld.idx.msk [tilespmem:v0+s10+$0x0], $0xffff;
	_ =	sdelay $0x4  }
0x20: {  	v2 =	vld [tilespmem:s13+$0x60];
	[tilespmem:s13+$0x7F40] =	vst v0  }
0x21: {  	v0 =	vld.idx.msk [tilespmem:v1+s10+$0x0], $0xffff;
	_ =	sdelay $0x4  }
0x22: {  	[tilespmem:s13+$0x7F50] =	vst v0;
	v0 =	vld [tilespmem:s13+$0x70];
	_ =	sdelay $0x1  }
0x23: {  	v1 =	vld.idx.msk [tilespmem:v2+s10+$0x0], $0xffff;
	_ =	sdelay $0x3  }
0x24: {  	s15 =	simm.s32 $0x80;
	s14 =	simm.s32 $0x400  }
.LBB2_2:
0x25: {  	p0 =	sne.s32 s14, $0xFE00;
	v2 =	vld [tilespmem:s15+$0x0];
	[tilespmem:s13+$0x7F60] =	vst v1  }
0x26: {  	v0 =	vld.idx.msk [tilespmem:v0+s10+$0x0], $0xffff;
	_ =	sdelay $0x5  }
0x27: {  	v1 =	vld [tilespmem:s15+$0x10];
	[tilespmem:s13+$0x7F70] =	vst v0;
	s13 =	smov.u32 s15  }
0x28: {  	v0 =	vld.idx.msk [tilespmem:v2+s10+$0x0], $0xffff;
	_ =	sdelay $0x5  }
0x29: {  	[tilespmem:s13+$0x7F00] =	vst v0;
	v0 =	vld [tilespmem:s13+$0x20]  }
0x2a: {  	v1 =	vld.idx.msk [tilespmem:v1+s10+$0x0], $0xffff;
	_ =	sdelay $0x5  }
0x2b: {  	[tilespmem:s13+$0x7F10] =	vst v1;
	v1 =	vld [tilespmem:s13+$0x30]  }
0x2c: {  	v0 =	vld.idx.msk [tilespmem:v0+s10+$0x0], $0xffff;
	_ =	sdelay $0x5  }
0x2d: {  	[tilespmem:s13+$0x7F20] =	vst v0;
	v0 =	vld [tilespmem:s13+$0x40]  }
0x2e: {  	v1 =	vld.idx.msk [tilespmem:v1+s10+$0x0], $0xffff;
	_ =	sdelay $0x5  }
0x2f: {  	[tilespmem:s13+$0x7F30] =	vst v1;
	v1 =	vld [tilespmem:s13+$0x50]  }
0x30: {  	v0 =	vld.idx.msk [tilespmem:v0+s10+$0x0], $0xffff;
	_ =	sdelay $0x5  }
0x31: {  	[tilespmem:s13+$0x7F40] =	vst v0;
	v2 =	vld [tilespmem:s13+$0x60]  }
0x32: {  	v0 =	vld.idx.msk [tilespmem:v1+s10+$0x0], $0xffff;
	_ =	sdelay $0x5  }
0x33: {  	[tilespmem:s13+$0x7F50] =	vst v0;
	v0 =	vld [tilespmem:s13+$0x70]  }
0x34: {  	v1 =	vld.idx.msk [tilespmem:v2+s10+$0x0], $0xffff  }
.Ltmp0:
0x35: {  	(pc) =	sbr.rel @p0 .LBB2_2-.Ltmp0, $2  }
0x36: {  	_ =	sdelay $0x2  }
0x37: {  	s15 =	sshra.s32 s14, $0x2;
	s14 =	sadd.s32 $0x200, s14  }
0x38: {  	_ =	sdelay $0x1  }
0x39: {  	v2 =	vld [tilespmem:s15+$0x0]  }
0x3a: {  	[tilespmem:s13+$0x7F60] =	vst v1  }
0x3b: {  	v0 =	vld.idx.msk [tilespmem:v0+s10+$0x0], $0xffff;
	_ =	sdelay $0x3  }
0x3c: {  	v1 =	vld [tilespmem:s15+$0x10]  }
0x3d: {  	[tilespmem:s13+$0x7F70] =	vst v0  }
0x3e: {  	v0 =	vld.idx.msk [tilespmem:v2+s10+$0x0], $0xffff;
	_ =	sdelay $0x4  }
0x3f: {  	[tilespmem:s15+$0x7F00] =	vst v0;
	v0 =	vld [tilespmem:s15+$0x20]  }
0x40: {  	v1 =	vld.idx.msk [tilespmem:v1+s10+$0x0], $0xffff;
	_ =	sdelay $0x4  }
0x41: {  	[tilespmem:s15+$0x7F10] =	vst v1;
	v1 =	vld [tilespmem:s15+$0x30];
	_ =	sdelay $0x1  }
0x42: {  	v0 =	vld.idx.msk [tilespmem:v0+s10+$0x0], $0xffff;
	_ =	sdelay $0x4  }
0x43: {  	[tilespmem:s15+$0x7F20] =	vst v0;
	v0 =	vld [tilespmem:s15+$0x40]  }
0x44: {  	v1 =	vld.idx.msk [tilespmem:v1+s10+$0x0], $0xffff;
	_ =	sdelay $0x4  }
0x45: {  	[tilespmem:s15+$0x7F30] =	vst v1;
	v1 =	vld [tilespmem:s15+$0x50];
	_ =	sdelay $0x1  }
0x46: {  	v0 =	vld.idx.msk [tilespmem:v0+s10+$0x0], $0xffff;
	_ =	sdelay $0x4  }
0x47: {  	[tilespmem:s15+$0x7F40] =	vst v0;
	v0 =	vld [tilespmem:s15+$0x60]  }
0x48: {  	v1 =	vld.idx.msk [tilespmem:v1+s10+$0x0], $0xffff;
	_ =	sdelay $0x4  }
0x49: {  	[tilespmem:s15+$0x7F50] =	vst v1;
	v1 =	vld [tilespmem:s15+$0x70];
	_ =	sdelay $0x1  }
0x4a: {  	v0 =	vld.idx.msk [tilespmem:v0+s10+$0x0], $0xffff;
	_ =	sdelay $0x4  }
0x4b: {  	[tilespmem:s15+$0x7F60] =	vst v0  }
0x4c: {  	v0 =	vld.idx.msk [tilespmem:v1+s10+$0x0], $0xffff;
	_ =	sdelay $0x4  }
0x4d: {  	s31 =	simm.s32 $0x0;
	[tilespmem:s15+$0x7F70] =	vst v0  }
0x4e: {  	[hbm4b:s5+s31] =	stream.linear.scatter [tilespmem:s11], [sflag:$0x1], $0x4000, $0x38;
	[tilespmem:$0xBF00] =	vst v63  }
0x4f: {  	_ =	swait.ge [sflag:s9], $0x4000  }
0x50: {  	[sflag:s9] =	ssyncset.done $0x0  }
0x51: {  	[sflag:s9] =	ssyncadd.s32 $0xFFFFC000  }
0x52: {  	[tilespmem:s10], [sflag:$0x1] =	stream.linear.gather [hbm4b:s6+s31], $0x3F00, $0x38;
	[tilespmem:$0xBF00] =	vst v63  }
0x53: {  	_ =	swait.ge [sflag:s9], $0x3F00  }
0x54: {  	[sflag:s9] =	ssyncset.done $0x0  }
0x55: {  	s13 =	simm.s32 $0x0;
	[sflag:s9] =	ssyncadd.s32 $0xFFFFC100  }
0x56: {  	v0 =	vld [tilespmem:s13+$0x0];
	_ =	sdelay $0x5  }
0x57: {  	v1 =	vld [tilespmem:s13+$0x10];
	_ =	sdelay $0x1  }
0x58: {  	v0 =	vld.idx.msk [tilespmem:v0+s10+$0x0], $0xffff;
	_ =	sdelay $0x4  }
0x59: {  	[tilespmem:s13+$0x7F00] =	vst v0;
	v0 =	vld [tilespmem:s13+$0x20]  }
0x5a: {  	v1 =	vld.idx.msk [tilespmem:v1+s10+$0x0], $0xffff;
	_ =	sdelay $0x4  }
0x5b: {  	[tilespmem:s13+$0x7F10] =	vst v1;
	v1 =	vld [tilespmem:s13+$0x30];
	_ =	sdelay $0x1  }
0x5c: {  	v0 =	vld.idx.msk [tilespmem:v0+s10+$0x0], $0xffff;
	_ =	sdelay $0x4  }
0x5d: {  	[tilespmem:s13+$0x7F20] =	vst v0;
	v0 =	vld [tilespmem:s13+$0x40]  }
0x5e: {  	v1 =	vld.idx.msk [tilespmem:v1+s10+$0x0], $0xffff;
	_ =	sdelay $0x4  }
0x5f: {  	[tilespmem:s13+$0x7F30] =	vst v1;
	v1 =	vld [tilespmem:s13+$0x50];
	_ =	sdelay $0x1  }
0x60: {  	v0 =	vld.idx.msk [tilespmem:v0+s10+$0x0], $0xffff;
	_ =	sdelay $0x4  }
0x61: {  	v2 =	vld [tilespmem:s13+$0x60];
	[tilespmem:s13+$0x7F40] =	vst v0  }
0x62: {  	v0 =	vld.idx.msk [tilespmem:v1+s10+$0x0], $0xffff;
	_ =	sdelay $0x4  }
0x63: {  	[tilespmem:s13+$0x7F50] =	vst v0;
	v0 =	vld [tilespmem:s13+$0x70];
	_ =	sdelay $0x1  }
0x64: {  	v1 =	vld.idx.msk [tilespmem:v2+s10+$0x0], $0xffff;
	_ =	sdelay $0x3  }
0x65: {  	s14 =	simm.s32 $0x400;
	s15 =	simm.s32 $0x80  }
.LBB2_4:
0x66: {  	p0 =	sne.s32 s14, $0xFE00;
	v2 =	vld [tilespmem:s15+$0x0];
	[tilespmem:s13+$0x7F60] =	vst v1  }
0x67: {  	v0 =	vld.idx.msk [tilespmem:v0+s10+$0x0], $0xffff;
	_ =	sdelay $0x5  }
0x68: {  	v1 =	vld [tilespmem:s15+$0x10];
	[tilespmem:s13+$0x7F70] =	vst v0;
	s13 =	smov.u32 s15  }
0x69: {  	v0 =	vld.idx.msk [tilespmem:v2+s10+$0x0], $0xffff;
	_ =	sdelay $0x5  }
0x6a: {  	[tilespmem:s13+$0x7F00] =	vst v0;
	v0 =	vld [tilespmem:s13+$0x20]  }
0x6b: {  	v1 =	vld.idx.msk [tilespmem:v1+s10+$0x0], $0xffff;
	_ =	sdelay $0x5  }
0x6c: {  	[tilespmem:s13+$0x7F10] =	vst v1;
	v1 =	vld [tilespmem:s13+$0x30]  }
0x6d: {  	v0 =	vld.idx.msk [tilespmem:v0+s10+$0x0], $0xffff;
	_ =	sdelay $0x5  }
0x6e: {  	[tilespmem:s13+$0x7F20] =	vst v0;
	v0 =	vld [tilespmem:s13+$0x40]  }
0x6f: {  	v1 =	vld.idx.msk [tilespmem:v1+s10+$0x0], $0xffff;
	_ =	sdelay $0x5  }
0x70: {  	[tilespmem:s13+$0x7F30] =	vst v1;
	v1 =	vld [tilespmem:s13+$0x50]  }
0x71: {  	v0 =	vld.idx.msk [tilespmem:v0+s10+$0x0], $0xffff;
	_ =	sdelay $0x5  }
0x72: {  	[tilespmem:s13+$0x7F40] =	vst v0;
	v2 =	vld [tilespmem:s13+$0x60]  }
0x73: {  	v0 =	vld.idx.msk [tilespmem:v1+s10+$0x0], $0xffff;
	_ =	sdelay $0x5  }
0x74: {  	[tilespmem:s13+$0x7F50] =	vst v0;
	v0 =	vld [tilespmem:s13+$0x70]  }
0x75: {  	v1 =	vld.idx.msk [tilespmem:v2+s10+$0x0], $0xffff  }
.Ltmp1:
0x76: {  	(pc) =	sbr.rel @p0 .LBB2_4-.Ltmp1, $2  }
0x77: {  	_ =	sdelay $0x2  }
0x78: {  	s15 =	sshra.s32 s14, $0x2;
	s14 =	sadd.s32 $0x200, s14  }
0x79: {  	_ =	sdelay $0x1  }
0x7a: {  	v2 =	vld [tilespmem:s15+$0x0]  }
0x7b: {  	[tilespmem:s13+$0x7F60] =	vst v1  }
0x7c: {  	v0 =	vld.idx.msk [tilespmem:v0+s10+$0x0], $0xffff;
	_ =	sdelay $0x3  }
0x7d: {  	v1 =	vld [tilespmem:s15+$0x10]  }
0x7e: {  	[tilespmem:s13+$0x7F70] =	vst v0  }
0x7f: {  	v0 =	vld.idx.msk [tilespmem:v2+s10+$0x0], $0xffff;
	_ =	sdelay $0x3  }
0x80: {  	v58 =	vld [tilespmem:s15+$0x20]  }
0x81: {  	[tilespmem:s15+$0x7F00] =	vst v0  }
0x82: {  	v1 =	vld.idx.msk [tilespmem:v1+s10+$0x0], $0xffff;
	_ =	sdelay $0x3  }
0x83: {  	v59 =	vld [tilespmem:s15+$0x30]  }
0x84: {  	[tilespmem:s15+$0x7F10] =	vst v1  }
0x85: {  	v0 =	vld.idx.msk [tilespmem:v58+s10+$0x0], $0xffff;
	_ =	sdelay $0x3  }
0x86: {  	v60 =	vld [tilespmem:s15+$0x40]  }
0x87: {  	[tilespmem:s15+$0x7F20] =	vst v0  }
0x88: {  	v1 =	vld.idx.msk [tilespmem:v59+s10+$0x0], $0xffff;
	_ =	sdelay $0x3  }
0x89: {  	v61 =	vld [tilespmem:s15+$0x50]  }
0x8a: {  	[tilespmem:s15+$0x7F30] =	vst v1  }
0x8b: {  	v0 =	vld.idx.msk [tilespmem:v60+s10+$0x0], $0xffff;
	_ =	sdelay $0x3  }
0x8c: {  	v62 =	vld [tilespmem:s15+$0x60]  }
0x8d: {  	[tilespmem:s15+$0x7F40] =	vst v0  }
0x8e: {  	v1 =	vld.idx.msk [tilespmem:v61+s10+$0x0], $0xffff;
	_ =	sdelay $0x3  }
0x8f: {  	v63 =	vld [tilespmem:s15+$0x70]  }
0x90: {  	[tilespmem:s15+$0x7F50] =	vst v1  }
0x91: {  	v0 =	vld.idx.msk [tilespmem:v62+s10+$0x0], $0xffff;
	_ =	sdelay $0x4  }
0x92: {  	[tilespmem:s15+$0x7F60] =	vst v0  }
0x93: {  	v0 =	vld.idx.msk [tilespmem:v63+s10+$0x0], $0xffff;
	_ =	sdelay $0x2  }
0x94: {  	s12 =	sadd.s32 $0x1, s12  }
0x95: {  	p0 =	sne.s32 s12, s8  }
.Ltmp2:
0x96: {  	[tilespmem:s15+$0x7F70] =	vst v0;
	(pc) =	sbr.rel @p0 .LBB2_1-.Ltmp2, $4  }
0x97: {  	[hbm4b:s7+s3] =	stream.linear.scatter [tilespmem:s11], [sflag:$0x1], $0x4000, $0x38;
	[tilespmem:$0xBF00] =	vst v63  }
0x98: {  	_ =	swait.ge [sflag:s9], $0x4000  }
0x99: {  	[sflag:s9] =	ssyncset.done $0x0  }
0x9a: {  	[sflag:s9] =	ssyncadd.s32 $0xFFFFC000  }
0x9b: {  	_ =	sfence.sel $0x180000  }
0x9c: {  	[bflag:$0x0] =	sbarrier.arrive $0xFFFF  }
0x9d: {  	p0 =	sne.s32 s2, $0x0;
	_ =	strace $0x90000047  }
0x9e: {  	s0 =	sadd.s32 @!p0 $0x100000, s0;
	[bflag:$0x2] =	sbarrier.arrive $0xFFFF  }
0x9f: {  	[sflag:s0] =	ssyncadd.tile.s32 @!p0 $0x1;
	_ =	shalt  }
.Lfunc_end2:
_tile_overlayer_lowered:
.L_overlay_start_2:
0xa0: {  	(tag) =	ssettag $0x2  }
0xa1: {  	s0 =	rddreg [dreg:$0x0];
	s2 =	stileid.u32  }
0xa2: {  	s1 =	rddreg [dreg:$0x1];
	p0 =	sne.s32 s2, $0x0  }
0xa3: {  	s3 =	rddreg [dreg:$0x2];
	[bflag:$0x3] =	sbarrier.arrive $0xFFFF;
	s2 =	simm.s32 @!p0 $0x1C01  }
0xa4: {  	[timem:s3], [sflag:s2] =	dma.local @!p0 [hbm:s0], s1  }
0xa5: {  	s0 =	simm.s32 @!p0 $0x1  }
0xa6: {  	_ =	swait.ge @!p0 [sflag:s0], s1  }
0xa7: {  	s1 =	ssub.s32 @!p0 $0x0, s1;
	[sflag:s0] =	ssyncset.done @!p0 $0x0  }
0xa8: {  	[sflag:s0] =	ssyncadd.s32 @!p0 s1  }
0xa9: {  	[bflag:$0x3] =	sbarrier.arrive $0xFFFF  }
0xaa: {  	_ =	shalt  }

</sc_bundles>
